<compile_context>
chip_gen: v7x
topology: tpu7x:2x2x1
jax: 0.10.2.dev20260603
libtpu: 0.0.44.dev20260713+nightly
codegen_flags: <defaults>
</compile_context>

<pallas_src>
import functools

import jax
import jax.numpy as jnp
from jax import lax
from jax.experimental import pallas as pl
from jax.experimental.pallas import tpu as pltpu
from jax.experimental.pallas import tpu_sc as plsc

EMB = 128
HID = 128

_NC, _NS = 2, 16
_NW = _NC * _NS
_NBUF = 4


_PROJ_BLOCK = 20000


def _proj_body(t_ref, w_ref, o_ref):
    i = pl.program_id(0)
    blk = t_ref[...]
    rows = lax.broadcasted_iota(jnp.int32, blk.shape, 0) + i * _PROJ_BLOCK
    blk = jnp.where(rows == 1, 0.0, blk)
    o_ref[...] = lax.dot_general(
        blk, w_ref[...], (((1,), (1,)), ((), ())),
        preferred_element_type=jnp.float32)


def _project_table(table, W):
    vocab = table.shape[0]
    grid = vocab // _PROJ_BLOCK
    return pl.pallas_call(
        _proj_body,
        grid=(grid,),
        in_specs=[
            pl.BlockSpec((_PROJ_BLOCK, EMB), lambda i: (i, 0)),
            pl.BlockSpec((HID, EMB), lambda i: (0, 0)),
        ],
        out_specs=pl.BlockSpec((_PROJ_BLOCK, HID), lambda i: (i, 0)),
        out_shape=jax.ShapeDtypeStruct((vocab, HID), jnp.float32),
    )(table, W)




_PB = 4


@functools.partial(jax.jit, static_argnums=(2, 3))
def _gather_rows(p, idx3, batch, seq):
    n_ch = batch // _NW
    n_chunks = n_ch // _PB
    n_groups = n_chunks // _NBUF
    mesh = plsc.VectorSubcoreMesh(core_axis_name="c", subcore_axis_name="s")

    @functools.partial(
        pl.kernel,
        mesh=mesh,
        out_type=jax.ShapeDtypeStruct((batch, seq, HID), jnp.float32),
        scratch_types=[
            pltpu.VMEM((n_ch, seq), jnp.int32),
        ] + [pltpu.VMEM((_PB, seq, HID), jnp.float32) for _ in range(_NBUF)]
          + [pltpu.SemaphoreType.DMA for _ in range(2 * _NBUF)],
    )
    def gather_k(p_hbm, idx_hbm, out_hbm, idx_v, *scratch):
        bufs = scratch[:_NBUF]
        gsem = scratch[_NBUF:2 * _NBUF]
        osem = scratch[2 * _NBUF:]
        wid = lax.axis_index("s") * _NC + lax.axis_index("c")
        base = wid * n_ch
        pltpu.sync_copy(idx_hbm.at[wid], idx_v)

        def fire(j, b):
            for k in range(_PB):
                pltpu.async_copy(
                    p_hbm.at[idx_v.at[j * _PB + k]], bufs[b].at[k], gsem[b])

        def wait_fire(j, b):
            for k in range(_PB):
                pltpu.make_async_copy(
                    p_hbm.at[idx_v.at[j * _PB + k]], bufs[b].at[k],
                    gsem[b]).wait()

        for b in range(_NBUF):
            fire(b, b)

        def group(g, carry):
            j0 = g * _NBUF
            for b in range(_NBUF):
                j = j0 + b
                dst = out_hbm.at[pl.ds(base + j * _PB, _PB)]
                wait_fire(j, b)
                pltpu.async_copy(bufs[b], dst, osem[b])

                @pl.when(g < n_groups - 1)
                def _():
                    pltpu.make_async_copy(bufs[b], dst, osem[b]).wait()
                    fire(j + _NBUF, b)
            return carry

        lax.fori_loop(0, n_groups, group, 0)
        last = (n_groups - 1) * _NBUF
        for b in range(_NBUF):
            j = last + b
            pltpu.make_async_copy(
                bufs[b], out_hbm.at[pl.ds(base + j * _PB, _PB)],
                osem[b]).wait()

    return gather_k(p, idx3)


def kernel(prem, hypo, embed_table, W):
    B, L = prem.shape
    n_ch = B // _NW

    P = _project_table(embed_table, W)
    outs = [
        _gather_rows(P, idx.reshape(_NW, n_ch, L), B, L)
        for idx in (prem, hypo)
    ]
    return (outs[0], outs[1])

# --- scband reference (transcript-rebuilt; emitter-appended) ---
"""Pipeline reference for scband-embed-encoder-54949811585227 (READ-ONLY COPY).

The authoritative reference and input builder live on the scoring server;
editing this copy changes nothing except your own understanding.
"""

import jax, jax.numpy as jnp
import numpy as np

VOCAB = 100000
EMB = 128
HID = 128
B = 4096
L = 50


def setup_inputs(seed: int = 0) -> dict:
    key = jax.random.key(seed)
    k1, k2, k3, k4 = jax.random.split(key, 4)
    prem = jax.random.randint(k1, (B, L), 0, VOCAB, dtype=jnp.int32)
    hypo = jax.random.randint(k2, (B, L), 0, VOCAB, dtype=jnp.int32)
    # nn.Embedding default init ~ N(0,1); padding_idx=1 row zeroed
    embed_table = jax.random.normal(k3, (VOCAB, EMB), dtype=jnp.float32)
    embed_table = embed_table.at[1].set(0.0)
    # Linear weight init N(0, para_init=0.01), shape [hidden_dim, embedding_dim]
    W = jax.random.normal(k4, (HID, EMB), dtype=jnp.float32) * 0.01
    return {"prem": prem, "hypo": hypo, "embed_table": embed_table, "W": W}


def reference(prem, hypo, embed_table, W):
    # enforce padding_idx=1 semantics (row 1 is zero)
    table = embed_table.at[1].set(0.0)
    batch_size = prem.shape[0]
    prem_emb = jnp.take(table, prem, axis=0)  # [B, L, EMB]
    hypo_emb = jnp.take(table, hypo, axis=0)  # [B, L, EMB]
    prem_flat = prem_emb.reshape(-1, EMB)
    hypo_flat = hypo_emb.reshape(-1, EMB)
    prem_out = (prem_flat @ W.T).reshape(batch_size, -1, HID)
    hypo_out = (hypo_flat @ W.T).reshape(batch_size, -1, HID)
    return (prem_out, hypo_out)

if __name__ == "__main__":
    import jax
    _d = setup_inputs()
    print(jax.jit(kernel)(*tuple(_d.values())))

</pallas_src>

<mosaic_0001>
#map = affine_map<(d0, d1) -> (0, 0)>
#map1 = affine_map<(d0, d1) -> (0, 0, 0)>
module attributes {stable_mosaic.version = 14 : i64} {
  func.func @gather_k(%arg0: i32, %arg1: i32, %arg2: memref<100000x128xf32, #tpu.memory_space<hbm>>, %arg3: memref<32x128x50xi32, #tpu.memory_space<hbm>>, %arg4: memref<4096x50x128xf32, #tpu.memory_space<hbm>>, %arg5: memref<128x50xi32, #tpu.memory_space<vmem>>, %arg6: memref<4x50x128xf32, #tpu.memory_space<vmem>>, %arg7: memref<4x50x128xf32, #tpu.memory_space<vmem>>, %arg8: memref<4x50x128xf32, #tpu.memory_space<vmem>>, %arg9: memref<4x50x128xf32, #tpu.memory_space<vmem>>, %arg10: memref<!tpu.dma_semaphore, #tpu.memory_space<semaphore_mem>>, %arg11: memref<!tpu.dma_semaphore, #tpu.memory_space<semaphore_mem>>, %arg12: memref<!tpu.dma_semaphore, #tpu.memory_space<semaphore_mem>>, %arg13: memref<!tpu.dma_semaphore, #tpu.memory_space<semaphore_mem>>, %arg14: memref<!tpu.dma_semaphore, #tpu.memory_space<semaphore_mem>>, %arg15: memref<!tpu.dma_semaphore, #tpu.memory_space<semaphore_mem>>, %arg16: memref<!tpu.dma_semaphore, #tpu.memory_space<semaphore_mem>>, %arg17: memref<!tpu.dma_semaphore, #tpu.memory_space<semaphore_mem>>) attributes {dimension_semantics = [#tpu.dimension_semantics<core_parallel>, #tpu.dimension_semantics<subcore_parallel>], iteration_bounds = array<i64: 2, 16>, scalar_prefetch = 0 : i64, scratch_operands = 13 : i64, tpu.core_type = #tpu.core_type<sc_vector_subcore>, window_params = [{transform_indices = #map}, {transform_indices = #map1}, {transform_indices = #map1}]} {
    %mul3A = arith.constant 2 : i32
    %mul3A_0 = arith.muli %arg1, %mul3A : i32
    %add3A = arith.addi %mul3A_0, %arg0 : i32
    %mul3A_1 = arith.constant 128 : i32
    %mul3A_2 = arith.muli %add3A, %mul3A_1 : i32
    "tpu.region"() ({
      %run_scoped3A = tpu.sem_alloc : memref<!tpu.dma_semaphore, #tpu.memory_space<semaphore_mem>>
      %dma_start3A_230 = arith.constant 0 : i32
      %dma_start3A_231 = arith.constant 0 : i32
      %dma_start3A_232 = tpu.memref_slice %arg3[%add3A, %dma_start3A_230, %dma_start3A_231] : memref<32x128x50xi32, #tpu.memory_space<hbm>> -> memref<1x128x50xi32, #tpu.memory_space<hbm>>
      %dma_start3A_233 = tpu.memref_squeeze %dma_start3A_232 : memref<1x128x50xi32, #tpu.memory_space<hbm>> -> memref<128x50xi32, #tpu.memory_space<hbm>>
      %dma_start3A_234 = arith.constant 0 : i32
      %dma_start3A_235 = arith.constant 0 : i32
      %dma_start3A_236 = tpu.memref_slice %arg3[%add3A, %dma_start3A_234, %dma_start3A_235] : memref<32x128x50xi32, #tpu.memory_space<hbm>> -> memref<1x128x50xi32, #tpu.memory_space<hbm>>
      %dma_start3A_237 = tpu.memref_squeeze %dma_start3A_236 : memref<1x128x50xi32, #tpu.memory_space<hbm>> -> memref<128x50xi32, #tpu.memory_space<hbm>>
      tpu.enqueue_dma source(%dma_start3A_237 : memref<128x50xi32, #tpu.memory_space<hbm>>) target(%arg5 : memref<128x50xi32, #tpu.memory_space<vmem>>) target_semaphore(%run_scoped3A : memref<!tpu.dma_semaphore, #tpu.memory_space<semaphore_mem>>)
      %dma_wait3A_238 = arith.constant 0 : i32
      %dma_wait3A_239 = arith.constant 0 : i32
      %dma_wait3A_240 = tpu.memref_slice %arg3[%add3A, %dma_wait3A_238, %dma_wait3A_239] : memref<32x128x50xi32, #tpu.memory_space<hbm>> -> memref<1x128x50xi32, #tpu.memory_space<hbm>>
      %dma_wait3A_241 = tpu.memref_squeeze %dma_wait3A_240 : memref<1x128x50xi32, #tpu.memory_space<hbm>> -> memref<128x50xi32, #tpu.memory_space<hbm>>
      %dma_wait3A_242 = arith.constant 0 : i32
      %dma_wait3A_243 = arith.constant 0 : i32
      %dma_wait3A_244 = tpu.memref_slice %arg3[%add3A, %dma_wait3A_242, %dma_wait3A_243] : memref<32x128x50xi32, #tpu.memory_space<hbm>> -> memref<1x128x50xi32, #tpu.memory_space<hbm>>
      %dma_wait3A_245 = tpu.memref_squeeze %dma_wait3A_244 : memref<1x128x50xi32, #tpu.memory_space<hbm>> -> memref<128x50xi32, #tpu.memory_space<hbm>>
      tpu.wait_dma2 semaphore(%run_scoped3A : memref<!tpu.dma_semaphore, #tpu.memory_space<semaphore_mem>>) src(%dma_wait3A_245 : memref<128x50xi32, #tpu.memory_space<hbm>>) dst(%arg5 : memref<128x50xi32, #tpu.memory_space<vmem>>)
      tpu.yield
    }) : () -> ()
    %dma_start3A = arith.constant 0 : i32
    %dma_start3A_3 = arith.constant 0 : i32
    %dma_start3A_4 = arith.constant 0 : i32
    %dma_start3A_5 = arith.constant 0 : i32
    %dma_start3A_6 = tpu.memref_slice %arg6[%dma_start3A_3, %dma_start3A_4, %dma_start3A_5] : memref<4x50x128xf32, #tpu.memory_space<vmem>> -> memref<1x50x128xf32, #tpu.memory_space<vmem>>
    %dma_start3A_7 = tpu.memref_squeeze %dma_start3A_6 : memref<1x50x128xf32, #tpu.memory_space<vmem>> -> memref<50x128xf32, #tpu.memory_space<vmem>>
    %dma_start3A_8 = arith.constant 0 : i32
    %dma_start3A_9 = tpu.memref_slice %arg5[%dma_start3A, %dma_start3A_8] : memref<128x50xi32, #tpu.memory_space<vmem>> -> memref<1x50xi32, #tpu.memory_space<vmem>>
    %dma_start3A_10 = tpu.memref_squeeze %dma_start3A_9 : memref<1x50xi32, #tpu.memory_space<vmem>> -> memref<50xi32, #tpu.memory_space<vmem>>
    %dma_start3A_11 = arith.constant 0 : i32
    %dma_start3A_12 = arith.constant 0 : i32
    %dma_start3A_13 = tpu.memref_slice %arg2[%dma_start3A_11, %dma_start3A_12] : memref<100000x128xf32, #tpu.memory_space<hbm>> -> memref<100000x128xf32, #tpu.memory_space<hbm>>
    tpu.enqueue_indirect_dma source(%dma_start3A_13 : memref<100000x128xf32, #tpu.memory_space<hbm>>) target(%dma_start3A_7 : memref<50x128xf32, #tpu.memory_space<vmem>>) offsets(%dma_start3A_10 : memref<50xi32, #tpu.memory_space<vmem>>) semaphore(%arg10 : memref<!tpu.dma_semaphore, #tpu.memory_space<semaphore_mem>>)
    %dma_start3A_14 = arith.constant 1 : i32
    %dma_start3A_15 = arith.constant 1 : i32
    %dma_start3A_16 = arith.constant 0 : i32
    %dma_start3A_17 = arith.constant 0 : i32
    %dma_start3A_18 = tpu.memref_slice %arg6[%dma_start3A_15, %dma_start3A_16, %dma_start3A_17] : memref<4x50x128xf32, #tpu.memory_space<vmem>> -> memref<1x50x128xf32, #tpu.memory_space<vmem>>
    %dma_start3A_19 = tpu.memref_squeeze %dma_start3A_18 : memref<1x50x128xf32, #tpu.memory_space<vmem>> -> memref<50x128xf32, #tpu.memory_space<vmem>>
    %dma_start3A_20 = arith.constant 0 : i32
    %dma_start3A_21 = tpu.memref_slice %arg5[%dma_start3A_14, %dma_start3A_20] : memref<128x50xi32, #tpu.memory_space<vmem>> -> memref<1x50xi32, #tpu.memory_space<vmem>>
    %dma_start3A_22 = tpu.memref_squeeze %dma_start3A_21 : memref<1x50xi32, #tpu.memory_space<vmem>> -> memref<50xi32, #tpu.memory_space<vmem>>
    %dma_start3A_23 = arith.constant 0 : i32
    %dma_start3A_24 = arith.constant 0 : i32
    %dma_start3A_25 = tpu.memref_slice %arg2[%dma_start3A_23, %dma_start3A_24] : memref<100000x128xf32, #tpu.memory_space<hbm>> -> memref<100000x128xf32, #tpu.memory_space<hbm>>
    tpu.enqueue_indirect_dma source(%dma_start3A_25 : memref<100000x128xf32, #tpu.memory_space<hbm>>) target(%dma_start3A_19 : memref<50x128xf32, #tpu.memory_space<vmem>>) offsets(%dma_start3A_22 : memref<50xi32, #tpu.memory_space<vmem>>) semaphore(%arg10 : memref<!tpu.dma_semaphore, #tpu.memory_space<semaphore_mem>>)
    %dma_start3A_26 = arith.constant 2 : i32
    %dma_start3A_27 = arith.constant 2 : i32
    %dma_start3A_28 = arith.constant 0 : i32
    %dma_start3A_29 = arith.constant 0 : i32
    %dma_start3A_30 = tpu.memref_slice %arg6[%dma_start3A_27, %dma_start3A_28, %dma_start3A_29] : memref<4x50x128xf32, #tpu.memory_space<vmem>> -> memref<1x50x128xf32, #tpu.memory_space<vmem>>
    %dma_start3A_31 = tpu.memref_squeeze %dma_start3A_30 : memref<1x50x128xf32, #tpu.memory_space<vmem>> -> memref<50x128xf32, #tpu.memory_space<vmem>>
    %dma_start3A_32 = arith.constant 0 : i32
    %dma_start3A_33 = tpu.memref_slice %arg5[%dma_start3A_26, %dma_start3A_32] : memref<128x50xi32, #tpu.memory_space<vmem>> -> memref<1x50xi32, #tpu.memory_space<vmem>>
    %dma_start3A_34 = tpu.memref_squeeze %dma_start3A_33 : memref<1x50xi32, #tpu.memory_space<vmem>> -> memref<50xi32, #tpu.memory_space<vmem>>
    %dma_start3A_35 = arith.constant 0 : i32
    %dma_start3A_36 = arith.constant 0 : i32
    %dma_start3A_37 = tpu.memref_slice %arg2[%dma_start3A_35, %dma_start3A_36] : memref<100000x128xf32, #tpu.memory_space<hbm>> -> memref<100000x128xf32, #tpu.memory_space<hbm>>
    tpu.enqueue_indirect_dma source(%dma_start3A_37 : memref<100000x128xf32, #tpu.memory_space<hbm>>) target(%dma_start3A_31 : memref<50x128xf32, #tpu.memory_space<vmem>>) offsets(%dma_start3A_34 : memref<50xi32, #tpu.memory_space<vmem>>) semaphore(%arg10 : memref<!tpu.dma_semaphore, #tpu.memory_space<semaphore_mem>>)
    %dma_start3A_38 = arith.constant 3 : i32
    %dma_start3A_39 = arith.constant 3 : i32
    %dma_start3A_40 = arith.constant 0 : i32
    %dma_start3A_41 = arith.constant 0 : i32
    %dma_start3A_42 = tpu.memref_slice %arg6[%dma_start3A_39, %dma_start3A_40, %dma_start3A_41] : memref<4x50x128xf32, #tpu.memory_space<vmem>> -> memref<1x50x128xf32, #tpu.memory_space<vmem>>
    %dma_start3A_43 = tpu.memref_squeeze %dma_start3A_42 : memref<1x50x128xf32, #tpu.memory_space<vmem>> -> memref<50x128xf32, #tpu.memory_space<vmem>>
    %dma_start3A_44 = arith.constant 0 : i32
    %dma_start3A_45 = tpu.memref_slice %arg5[%dma_start3A_38, %dma_start3A_44] : memref<128x50xi32, #tpu.memory_space<vmem>> -> memref<1x50xi32, #tpu.memory_space<vmem>>
    %dma_start3A_46 = tpu.memref_squeeze %dma_start3A_45 : memref<1x50xi32, #tpu.memory_space<vmem>> -> memref<50xi32, #tpu.memory_space<vmem>>
    %dma_start3A_47 = arith.constant 0 : i32
    %dma_start3A_48 = arith.constant 0 : i32
    %dma_start3A_49 = tpu.memref_slice %arg2[%dma_start3A_47, %dma_start3A_48] : memref<100000x128xf32, #tpu.memory_space<hbm>> -> memref<100000x128xf32, #tpu.memory_space<hbm>>
    tpu.enqueue_indirect_dma source(%dma_start3A_49 : memref<100000x128xf32, #tpu.memory_space<hbm>>) target(%dma_start3A_43 : memref<50x128xf32, #tpu.memory_space<vmem>>) offsets(%dma_start3A_46 : memref<50xi32, #tpu.memory_space<vmem>>) semaphore(%arg10 : memref<!tpu.dma_semaphore, #tpu.memory_space<semaphore_mem>>)
    %dma_start3A_50 = arith.constant 4 : i32
    %dma_start3A_51 = arith.constant 0 : i32
    %dma_start3A_52 = arith.constant 0 : i32
    %dma_start3A_53 = arith.constant 0 : i32
    %dma_start3A_54 = tpu.memref_slice %arg7[%dma_start3A_51, %dma_start3A_52, %dma_start3A_53] : memref<4x50x128xf32, #tpu.memory_space<vmem>> -> memref<1x50x128xf32, #tpu.memory_space<vmem>>
    %dma_start3A_55 = tpu.memref_squeeze %dma_start3A_54 : memref<1x50x128xf32, #tpu.memory_space<vmem>> -> memref<50x128xf32, #tpu.memory_space<vmem>>
    %dma_start3A_56 = arith.constant 0 : i32
    %dma_start3A_57 = tpu.memref_slice %arg5[%dma_start3A_50, %dma_start3A_56] : memref<128x50xi32, #tpu.memory_space<vmem>> -> memref<1x50xi32, #tpu.memory_space<vmem>>
    %dma_start3A_58 = tpu.memref_squeeze %dma_start3A_57 : memref<1x50xi32, #tpu.memory_space<vmem>> -> memref<50xi32, #tpu.memory_space<vmem>>
    %dma_start3A_59 = arith.constant 0 : i32
    %dma_start3A_60 = arith.constant 0 : i32
    %dma_start3A_61 = tpu.memref_slice %arg2[%dma_start3A_59, %dma_start3A_60] : memref<100000x128xf32, #tpu.memory_space<hbm>> -> memref<100000x128xf32, #tpu.memory_space<hbm>>
    tpu.enqueue_indirect_dma source(%dma_start3A_61 : memref<100000x128xf32, #tpu.memory_space<hbm>>) target(%dma_start3A_55 : memref<50x128xf32, #tpu.memory_space<vmem>>) offsets(%dma_start3A_58 : memref<50xi32, #tpu.memory_space<vmem>>) semaphore(%arg11 : memref<!tpu.dma_semaphore, #tpu.memory_space<semaphore_mem>>)
    %dma_start3A_62 = arith.constant 5 : i32
    %dma_start3A_63 = arith.constant 1 : i32
    %dma_start3A_64 = arith.constant 0 : i32
    %dma_start3A_65 = arith.constant 0 : i32
    %dma_start3A_66 = tpu.memref_slice %arg7[%dma_start3A_63, %dma_start3A_64, %dma_start3A_65] : memref<4x50x128xf32, #tpu.memory_space<vmem>> -> memref<1x50x128xf32, #tpu.memory_space<vmem>>
    %dma_start3A_67 = tpu.memref_squeeze %dma_start3A_66 : memref<1x50x128xf32, #tpu.memory_space<vmem>> -> memref<50x128xf32, #tpu.memory_space<vmem>>
    %dma_start3A_68 = arith.constant 0 : i32
    %dma_start3A_69 = tpu.memref_slice %arg5[%dma_start3A_62, %dma_start3A_68] : memref<128x50xi32, #tpu.memory_space<vmem>> -> memref<1x50xi32, #tpu.memory_space<vmem>>
    %dma_start3A_70 = tpu.memref_squeeze %dma_start3A_69 : memref<1x50xi32, #tpu.memory_space<vmem>> -> memref<50xi32, #tpu.memory_space<vmem>>
    %dma_start3A_71 = arith.constant 0 : i32
    %dma_start3A_72 = arith.constant 0 : i32
    %dma_start3A_73 = tpu.memref_slice %arg2[%dma_start3A_71, %dma_start3A_72] : memref<100000x128xf32, #tpu.memory_space<hbm>> -> memref<100000x128xf32, #tpu.memory_space<hbm>>
    tpu.enqueue_indirect_dma source(%dma_start3A_73 : memref<100000x128xf32, #tpu.memory_space<hbm>>) target(%dma_start3A_67 : memref<50x128xf32, #tpu.memory_space<vmem>>) offsets(%dma_start3A_70 : memref<50xi32, #tpu.memory_space<vmem>>) semaphore(%arg11 : memref<!tpu.dma_semaphore, #tpu.memory_space<semaphore_mem>>)
    %dma_start3A_74 = arith.constant 6 : i32
    %dma_start3A_75 = arith.constant 2 : i32
    %dma_start3A_76 = arith.constant 0 : i32
    %dma_start3A_77 = arith.constant 0 : i32
    %dma_start3A_78 = tpu.memref_slice %arg7[%dma_start3A_75, %dma_start3A_76, %dma_start3A_77] : memref<4x50x128xf32, #tpu.memory_space<vmem>> -> memref<1x50x128xf32, #tpu.memory_space<vmem>>
    %dma_start3A_79 = tpu.memref_squeeze %dma_start3A_78 : memref<1x50x128xf32, #tpu.memory_space<vmem>> -> memref<50x128xf32, #tpu.memory_space<vmem>>
    %dma_start3A_80 = arith.constant 0 : i32
    %dma_start3A_81 = tpu.memref_slice %arg5[%dma_start3A_74, %dma_start3A_80] : memref<128x50xi32, #tpu.memory_space<vmem>> -> memref<1x50xi32, #tpu.memory_space<vmem>>
    %dma_start3A_82 = tpu.memref_squeeze %dma_start3A_81 : memref<1x50xi32, #tpu.memory_space<vmem>> -> memref<50xi32, #tpu.memory_space<vmem>>
    %dma_start3A_83 = arith.constant 0 : i32
    %dma_start3A_84 = arith.constant 0 : i32
    %dma_start3A_85 = tpu.memref_slice %arg2[%dma_start3A_83, %dma_start3A_84] : memref<100000x128xf32, #tpu.memory_space<hbm>> -> memref<100000x128xf32, #tpu.memory_space<hbm>>
    tpu.enqueue_indirect_dma source(%dma_start3A_85 : memref<100000x128xf32, #tpu.memory_space<hbm>>) target(%dma_start3A_79 : memref<50x128xf32, #tpu.memory_space<vmem>>) offsets(%dma_start3A_82 : memref<50xi32, #tpu.memory_space<vmem>>) semaphore(%arg11 : memref<!tpu.dma_semaphore, #tpu.memory_space<semaphore_mem>>)
    %dma_start3A_86 = arith.constant 7 : i32
    %dma_start3A_87 = arith.constant 3 : i32
    %dma_start3A_88 = arith.constant 0 : i32
    %dma_start3A_89 = arith.constant 0 : i32
    %dma_start3A_90 = tpu.memref_slice %arg7[%dma_start3A_87, %dma_start3A_88, %dma_start3A_89] : memref<4x50x128xf32, #tpu.memory_space<vmem>> -> memref<1x50x128xf32, #tpu.memory_space<vmem>>
    %dma_start3A_91 = tpu.memref_squeeze %dma_start3A_90 : memref<1x50x128xf32, #tpu.memory_space<vmem>> -> memref<50x128xf32, #tpu.memory_space<vmem>>
    %dma_start3A_92 = arith.constant 0 : i32
    %dma_start3A_93 = tpu.memref_slice %arg5[%dma_start3A_86, %dma_start3A_92] : memref<128x50xi32, #tpu.memory_space<vmem>> -> memref<1x50xi32, #tpu.memory_space<vmem>>
    %dma_start3A_94 = tpu.memref_squeeze %dma_start3A_93 : memref<1x50xi32, #tpu.memory_space<vmem>> -> memref<50xi32, #tpu.memory_space<vmem>>
    %dma_start3A_95 = arith.constant 0 : i32
    %dma_start3A_96 = arith.constant 0 : i32
    %dma_start3A_97 = tpu.memref_slice %arg2[%dma_start3A_95, %dma_start3A_96] : memref<100000x128xf32, #tpu.memory_space<hbm>> -> memref<100000x128xf32, #tpu.memory_space<hbm>>
    tpu.enqueue_indirect_dma source(%dma_start3A_97 : memref<100000x128xf32, #tpu.memory_space<hbm>>) target(%dma_start3A_91 : memref<50x128xf32, #tpu.memory_space<vmem>>) offsets(%dma_start3A_94 : memref<50xi32, #tpu.memory_space<vmem>>) semaphore(%arg11 : memref<!tpu.dma_semaphore, #tpu.memory_space<semaphore_mem>>)
    %dma_start3A_98 = arith.constant 8 : i32
    %dma_start3A_99 = arith.constant 0 : i32
    %dma_start3A_100 = arith.constant 0 : i32
    %dma_start3A_101 = arith.constant 0 : i32
    %dma_start3A_102 = tpu.memref_slice %arg8[%dma_start3A_99, %dma_start3A_100, %dma_start3A_101] : memref<4x50x128xf32, #tpu.memory_space<vmem>> -> memref<1x50x128xf32, #tpu.memory_space<vmem>>
    %dma_start3A_103 = tpu.memref_squeeze %dma_start3A_102 : memref<1x50x128xf32, #tpu.memory_space<vmem>> -> memref<50x128xf32, #tpu.memory_space<vmem>>
    %dma_start3A_104 = arith.constant 0 : i32
    %dma_start3A_105 = tpu.memref_slice %arg5[%dma_start3A_98, %dma_start3A_104] : memref<128x50xi32, #tpu.memory_space<vmem>> -> memref<1x50xi32, #tpu.memory_space<vmem>>
    %dma_start3A_106 = tpu.memref_squeeze %dma_start3A_105 : memref<1x50xi32, #tpu.memory_space<vmem>> -> memref<50xi32, #tpu.memory_space<vmem>>
    %dma_start3A_107 = arith.constant 0 : i32
    %dma_start3A_108 = arith.constant 0 : i32
    %dma_start3A_109 = tpu.memref_slice %arg2[%dma_start3A_107, %dma_start3A_108] : memref<100000x128xf32, #tpu.memory_space<hbm>> -> memref<100000x128xf32, #tpu.memory_space<hbm>>
    tpu.enqueue_indirect_dma source(%dma_start3A_109 : memref<100000x128xf32, #tpu.memory_space<hbm>>) target(%dma_start3A_103 : memref<50x128xf32, #tpu.memory_space<vmem>>) offsets(%dma_start3A_106 : memref<50xi32, #tpu.memory_space<vmem>>) semaphore(%arg12 : memref<!tpu.dma_semaphore, #tpu.memory_space<semaphore_mem>>)
    %dma_start3A_110 = arith.constant 9 : i32
    %dma_start3A_111 = arith.constant 1 : i32
    %dma_start3A_112 = arith.constant 0 : i32
    %dma_start3A_113 = arith.constant 0 : i32
    %dma_start3A_114 = tpu.memref_slice %arg8[%dma_start3A_111, %dma_start3A_112, %dma_start3A_113] : memref<4x50x128xf32, #tpu.memory_space<vmem>> -> memref<1x50x128xf32, #tpu.memory_space<vmem>>
    %dma_start3A_115 = tpu.memref_squeeze %dma_start3A_114 : memref<1x50x128xf32, #tpu.memory_space<vmem>> -> memref<50x128xf32, #tpu.memory_space<vmem>>
    %dma_start3A_116 = arith.constant 0 : i32
    %dma_start3A_117 = tpu.memref_slice %arg5[%dma_start3A_110, %dma_start3A_116] : memref<128x50xi32, #tpu.memory_space<vmem>> -> memref<1x50xi32, #tpu.memory_space<vmem>>
    %dma_start3A_118 = tpu.memref_squeeze %dma_start3A_117 : memref<1x50xi32, #tpu.memory_space<vmem>> -> memref<50xi32, #tpu.memory_space<vmem>>
    %dma_start3A_119 = arith.constant 0 : i32
    %dma_start3A_120 = arith.constant 0 : i32
    %dma_start3A_121 = tpu.memref_slice %arg2[%dma_start3A_119, %dma_start3A_120] : memref<100000x128xf32, #tpu.memory_space<hbm>> -> memref<100000x128xf32, #tpu.memory_space<hbm>>
    tpu.enqueue_indirect_dma source(%dma_start3A_121 : memref<100000x128xf32, #tpu.memory_space<hbm>>) target(%dma_start3A_115 : memref<50x128xf32, #tpu.memory_space<vmem>>) offsets(%dma_start3A_118 : memref<50xi32, #tpu.memory_space<vmem>>) semaphore(%arg12 : memref<!tpu.dma_semaphore, #tpu.memory_space<semaphore_mem>>)
    %dma_start3A_122 = arith.constant 10 : i32
    %dma_start3A_123 = arith.constant 2 : i32
    %dma_start3A_124 = arith.constant 0 : i32
    %dma_start3A_125 = arith.constant 0 : i32
    %dma_start3A_126 = tpu.memref_slice %arg8[%dma_start3A_123, %dma_start3A_124, %dma_start3A_125] : memref<4x50x128xf32, #tpu.memory_space<vmem>> -> memref<1x50x128xf32, #tpu.memory_space<vmem>>
    %dma_start3A_127 = tpu.memref_squeeze %dma_start3A_126 : memref<1x50x128xf32, #tpu.memory_space<vmem>> -> memref<50x128xf32, #tpu.memory_space<vmem>>
    %dma_start3A_128 = arith.constant 0 : i32
    %dma_start3A_129 = tpu.memref_slice %arg5[%dma_start3A_122, %dma_start3A_128] : memref<128x50xi32, #tpu.memory_space<vmem>> -> memref<1x50xi32, #tpu.memory_space<vmem>>
    %dma_start3A_130 = tpu.memref_squeeze %dma_start3A_129 : memref<1x50xi32, #tpu.memory_space<vmem>> -> memref<50xi32, #tpu.memory_space<vmem>>
    %dma_start3A_131 = arith.constant 0 : i32
    %dma_start3A_132 = arith.constant 0 : i32
    %dma_start3A_133 = tpu.memref_slice %arg2[%dma_start3A_131, %dma_start3A_132] : memref<100000x128xf32, #tpu.memory_space<hbm>> -> memref<100000x128xf32, #tpu.memory_space<hbm>>
    tpu.enqueue_indirect_dma source(%dma_start3A_133 : memref<100000x128xf32, #tpu.memory_space<hbm>>) target(%dma_start3A_127 : memref<50x128xf32, #tpu.memory_space<vmem>>) offsets(%dma_start3A_130 : memref<50xi32, #tpu.memory_space<vmem>>) semaphore(%arg12 : memref<!tpu.dma_semaphore, #tpu.memory_space<semaphore_mem>>)
    %dma_start3A_134 = arith.constant 11 : i32
    %dma_start3A_135 = arith.constant 3 : i32
    %dma_start3A_136 = arith.constant 0 : i32
    %dma_start3A_137 = arith.constant 0 : i32
    %dma_start3A_138 = tpu.memref_slice %arg8[%dma_start3A_135, %dma_start3A_136, %dma_start3A_137] : memref<4x50x128xf32, #tpu.memory_space<vmem>> -> memref<1x50x128xf32, #tpu.memory_space<vmem>>
    %dma_start3A_139 = tpu.memref_squeeze %dma_start3A_138 : memref<1x50x128xf32, #tpu.memory_space<vmem>> -> memref<50x128xf32, #tpu.memory_space<vmem>>
    %dma_start3A_140 = arith.constant 0 : i32
    %dma_start3A_141 = tpu.memref_slice %arg5[%dma_start3A_134, %dma_start3A_140] : memref<128x50xi32, #tpu.memory_space<vmem>> -> memref<1x50xi32, #tpu.memory_space<vmem>>
    %dma_start3A_142 = tpu.memref_squeeze %dma_start3A_141 : memref<1x50xi32, #tpu.memory_space<vmem>> -> memref<50xi32, #tpu.memory_space<vmem>>
    %dma_start3A_143 = arith.constant 0 : i32
    %dma_start3A_144 = arith.constant 0 : i32
    %dma_start3A_145 = tpu.memref_slice %arg2[%dma_start3A_143, %dma_start3A_144] : memref<100000x128xf32, #tpu.memory_space<hbm>> -> memref<100000x128xf32, #tpu.memory_space<hbm>>
    tpu.enqueue_indirect_dma source(%dma_start3A_145 : memref<100000x128xf32, #tpu.memory_space<hbm>>) target(%dma_start3A_139 : memref<50x128xf32, #tpu.memory_space<vmem>>) offsets(%dma_start3A_142 : memref<50xi32, #tpu.memory_space<vmem>>) semaphore(%arg12 : memref<!tpu.dma_semaphore, #tpu.memory_space<semaphore_mem>>)
    %dma_start3A_146 = arith.constant 12 : i32
    %dma_start3A_147 = arith.constant 0 : i32
    %dma_start3A_148 = arith.constant 0 : i32
    %dma_start3A_149 = arith.constant 0 : i32
    %dma_start3A_150 = tpu.memref_slice %arg9[%dma_start3A_147, %dma_start3A_148, %dma_start3A_149] : memref<4x50x128xf32, #tpu.memory_space<vmem>> -> memref<1x50x128xf32, #tpu.memory_space<vmem>>
    %dma_start3A_151 = tpu.memref_squeeze %dma_start3A_150 : memref<1x50x128xf32, #tpu.memory_space<vmem>> -> memref<50x128xf32, #tpu.memory_space<vmem>>
    %dma_start3A_152 = arith.constant 0 : i32
    %dma_start3A_153 = tpu.memref_slice %arg5[%dma_start3A_146, %dma_start3A_152] : memref<128x50xi32, #tpu.memory_space<vmem>> -> memref<1x50xi32, #tpu.memory_space<vmem>>
    %dma_start3A_154 = tpu.memref_squeeze %dma_start3A_153 : memref<1x50xi32, #tpu.memory_space<vmem>> -> memref<50xi32, #tpu.memory_space<vmem>>
    %dma_start3A_155 = arith.constant 0 : i32
    %dma_start3A_156 = arith.constant 0 : i32
    %dma_start3A_157 = tpu.memref_slice %arg2[%dma_start3A_155, %dma_start3A_156] : memref<100000x128xf32, #tpu.memory_space<hbm>> -> memref<100000x128xf32, #tpu.memory_space<hbm>>
    tpu.enqueue_indirect_dma source(%dma_start3A_157 : memref<100000x128xf32, #tpu.memory_space<hbm>>) target(%dma_start3A_151 : memref<50x128xf32, #tpu.memory_space<vmem>>) offsets(%dma_start3A_154 : memref<50xi32, #tpu.memory_space<vmem>>) semaphore(%arg13 : memref<!tpu.dma_semaphore, #tpu.memory_space<semaphore_mem>>)
    %dma_start3A_158 = arith.constant 13 : i32
    %dma_start3A_159 = arith.constant 1 : i32
    %dma_start3A_160 = arith.constant 0 : i32
    %dma_start3A_161 = arith.constant 0 : i32
    %dma_start3A_162 = tpu.memref_slice %arg9[%dma_start3A_159, %dma_start3A_160, %dma_start3A_161] : memref<4x50x128xf32, #tpu.memory_space<vmem>> -> memref<1x50x128xf32, #tpu.memory_space<vmem>>
    %dma_start3A_163 = tpu.memref_squeeze %dma_start3A_162 : memref<1x50x128xf32, #tpu.memory_space<vmem>> -> memref<50x128xf32, #tpu.memory_space<vmem>>
    %dma_start3A_164 = arith.constant 0 : i32
    %dma_start3A_165 = tpu.memref_slice %arg5[%dma_start3A_158, %dma_start3A_164] : memref<128x50xi32, #tpu.memory_space<vmem>> -> memref<1x50xi32, #tpu.memory_space<vmem>>
    %dma_start3A_166 = tpu.memref_squeeze %dma_start3A_165 : memref<1x50xi32, #tpu.memory_space<vmem>> -> memref<50xi32, #tpu.memory_space<vmem>>
    %dma_start3A_167 = arith.constant 0 : i32
    %dma_start3A_168 = arith.constant 0 : i32
    %dma_start3A_169 = tpu.memref_slice %arg2[%dma_start3A_167, %dma_start3A_168] : memref<100000x128xf32, #tpu.memory_space<hbm>> -> memref<100000x128xf32, #tpu.memory_space<hbm>>
    tpu.enqueue_indirect_dma source(%dma_start3A_169 : memref<100000x128xf32, #tpu.memory_space<hbm>>) target(%dma_start3A_163 : memref<50x128xf32, #tpu.memory_space<vmem>>) offsets(%dma_start3A_166 : memref<50xi32, #tpu.memory_space<vmem>>) semaphore(%arg13 : memref<!tpu.dma_semaphore, #tpu.memory_space<semaphore_mem>>)
    %dma_start3A_170 = arith.constant 14 : i32
    %dma_start3A_171 = arith.constant 2 : i32
    %dma_start3A_172 = arith.constant 0 : i32
    %dma_start3A_173 = arith.constant 0 : i32
    %dma_start3A_174 = tpu.memref_slice %arg9[%dma_start3A_171, %dma_start3A_172, %dma_start3A_173] : memref<4x50x128xf32, #tpu.memory_space<vmem>> -> memref<1x50x128xf32, #tpu.memory_space<vmem>>
    %dma_start3A_175 = tpu.memref_squeeze %dma_start3A_174 : memref<1x50x128xf32, #tpu.memory_space<vmem>> -> memref<50x128xf32, #tpu.memory_space<vmem>>
    %dma_start3A_176 = arith.constant 0 : i32
    %dma_start3A_177 = tpu.memref_slice %arg5[%dma_start3A_170, %dma_start3A_176] : memref<128x50xi32, #tpu.memory_space<vmem>> -> memref<1x50xi32, #tpu.memory_space<vmem>>
    %dma_start3A_178 = tpu.memref_squeeze %dma_start3A_177 : memref<1x50xi32, #tpu.memory_space<vmem>> -> memref<50xi32, #tpu.memory_space<vmem>>
    %dma_start3A_179 = arith.constant 0 : i32
    %dma_start3A_180 = arith.constant 0 : i32
    %dma_start3A_181 = tpu.memref_slice %arg2[%dma_start3A_179, %dma_start3A_180] : memref<100000x128xf32, #tpu.memory_space<hbm>> -> memref<100000x128xf32, #tpu.memory_space<hbm>>
    tpu.enqueue_indirect_dma source(%dma_start3A_181 : memref<100000x128xf32, #tpu.memory_space<hbm>>) target(%dma_start3A_175 : memref<50x128xf32, #tpu.memory_space<vmem>>) offsets(%dma_start3A_178 : memref<50xi32, #tpu.memory_space<vmem>>) semaphore(%arg13 : memref<!tpu.dma_semaphore, #tpu.memory_space<semaphore_mem>>)
    %dma_start3A_182 = arith.constant 15 : i32
    %dma_start3A_183 = arith.constant 3 : i32
    %dma_start3A_184 = arith.constant 0 : i32
    %dma_start3A_185 = arith.constant 0 : i32
    %dma_start3A_186 = tpu.memref_slice %arg9[%dma_start3A_183, %dma_start3A_184, %dma_start3A_185] : memref<4x50x128xf32, #tpu.memory_space<vmem>> -> memref<1x50x128xf32, #tpu.memory_space<vmem>>
    %dma_start3A_187 = tpu.memref_squeeze %dma_start3A_186 : memref<1x50x128xf32, #tpu.memory_space<vmem>> -> memref<50x128xf32, #tpu.memory_space<vmem>>
    %dma_start3A_188 = arith.constant 0 : i32
    %dma_start3A_189 = tpu.memref_slice %arg5[%dma_start3A_182, %dma_start3A_188] : memref<128x50xi32, #tpu.memory_space<vmem>> -> memref<1x50xi32, #tpu.memory_space<vmem>>
    %dma_start3A_190 = tpu.memref_squeeze %dma_start3A_189 : memref<1x50xi32, #tpu.memory_space<vmem>> -> memref<50xi32, #tpu.memory_space<vmem>>
    %dma_start3A_191 = arith.constant 0 : i32
    %dma_start3A_192 = arith.constant 0 : i32
    %dma_start3A_193 = tpu.memref_slice %arg2[%dma_start3A_191, %dma_start3A_192] : memref<100000x128xf32, #tpu.memory_space<hbm>> -> memref<100000x128xf32, #tpu.memory_space<hbm>>
    tpu.enqueue_indirect_dma source(%dma_start3A_193 : memref<100000x128xf32, #tpu.memory_space<hbm>>) target(%dma_start3A_187 : memref<50x128xf32, #tpu.memory_space<vmem>>) offsets(%dma_start3A_190 : memref<50xi32, #tpu.memory_space<vmem>>) semaphore(%arg13 : memref<!tpu.dma_semaphore, #tpu.memory_space<semaphore_mem>>)
    %scan3A = arith.constant 0 : i32
    %scan3A_194 = arith.constant 0 : i32
    %scan3A_195 = arith.constant 8 : i32
    %scan3A_196 = arith.addi %scan3A_194, %scan3A_195 : i32
    %scan3A_197 = arith.constant 1 : i32
    scf.for %scan3A_230 = %scan3A_194 to %scan3A_196 step %scan3A_197  : i32 {
      %mul3A_231 = arith.constant 4 : i32
      %mul3A_232 = arith.muli %scan3A_230, %mul3A_231 : i32
      %add3A_233 = arith.constant 0 : i32
      %add3A_234 = arith.addi %mul3A_232, %add3A_233 : i32
      %mul3A_235 = arith.constant 4 : i32
      %mul3A_236 = arith.muli %add3A_234, %mul3A_235 : i32
      %add3A_237 = arith.addi %mul3A_2, %mul3A_236 : i32
      %mul3A_238 = arith.constant 4 : i32
      %mul3A_239 = arith.muli %add3A_234, %mul3A_238 : i32
      %add3A_240 = arith.constant 0 : i32
      %add3A_241 = arith.addi %mul3A_239, %add3A_240 : i32
      %dma_wait3A_242 = arith.constant 0 : i32
      %dma_wait3A_243 = arith.constant 0 : i32
      %dma_wait3A_244 = arith.constant 0 : i32
      %dma_wait3A_245 = tpu.memref_slice %arg6[%dma_wait3A_242, %dma_wait3A_243, %dma_wait3A_244] : memref<4x50x128xf32, #tpu.memory_space<vmem>> -> memref<1x50x128xf32, #tpu.memory_space<vmem>>
      %dma_wait3A_246 = tpu.memref_squeeze %dma_wait3A_245 : memref<1x50x128xf32, #tpu.memory_space<vmem>> -> memref<50x128xf32, #tpu.memory_space<vmem>>
      %dma_wait3A_247 = arith.constant 0 : i32
      %dma_wait3A_248 = tpu.memref_slice %arg5[%add3A_241, %dma_wait3A_247] : memref<128x50xi32, #tpu.memory_space<vmem>> -> memref<1x50xi32, #tpu.memory_space<vmem>>
      %dma_wait3A_249 = tpu.memref_squeeze %dma_wait3A_248 : memref<1x50xi32, #tpu.memory_space<vmem>> -> memref<50xi32, #tpu.memory_space<vmem>>
      %dma_wait3A_250 = arith.constant 0 : i32
      %dma_wait3A_251 = arith.constant 0 : i32
      %dma_wait3A_252 = tpu.memref_slice %arg2[%dma_wait3A_250, %dma_wait3A_251] : memref<100000x128xf32, #tpu.memory_space<hbm>> -> memref<100000x128xf32, #tpu.memory_space<hbm>>
      tpu.wait_indirect_dma semaphore(%arg10 : memref<!tpu.dma_semaphore, #tpu.memory_space<semaphore_mem>>) src(%dma_wait3A_252 : memref<100000x128xf32, #tpu.memory_space<hbm>>) dst(%dma_wait3A_246 : memref<50x128xf32, #tpu.memory_space<vmem>>)
      %mul3A_253 = arith.constant 4 : i32
      %mul3A_254 = arith.muli %add3A_234, %mul3A_253 : i32
      %add3A_255 = arith.constant 1 : i32
      %add3A_256 = arith.addi %mul3A_254, %add3A_255 : i32
      %dma_wait3A_257 = arith.constant 1 : i32
      %dma_wait3A_258 = arith.constant 0 : i32
      %dma_wait3A_259 = arith.constant 0 : i32
      %dma_wait3A_260 = tpu.memref_slice %arg6[%dma_wait3A_257, %dma_wait3A_258, %dma_wait3A_259] : memref<4x50x128xf32, #tpu.memory_space<vmem>> -> memref<1x50x128xf32, #tpu.memory_space<vmem>>
      %dma_wait3A_261 = tpu.memref_squeeze %dma_wait3A_260 : memref<1x50x128xf32, #tpu.memory_space<vmem>> -> memref<50x128xf32, #tpu.memory_space<vmem>>
      %dma_wait3A_262 = arith.constant 0 : i32
      %dma_wait3A_263 = tpu.memref_slice %arg5[%add3A_256, %dma_wait3A_262] : memref<128x50xi32, #tpu.memory_space<vmem>> -> memref<1x50xi32, #tpu.memory_space<vmem>>
      %dma_wait3A_264 = tpu.memref_squeeze %dma_wait3A_263 : memref<1x50xi32, #tpu.memory_space<vmem>> -> memref<50xi32, #tpu.memory_space<vmem>>
      %dma_wait3A_265 = arith.constant 0 : i32
      %dma_wait3A_266 = arith.constant 0 : i32
      %dma_wait3A_267 = tpu.memref_slice %arg2[%dma_wait3A_265, %dma_wait3A_266] : memref<100000x128xf32, #tpu.memory_space<hbm>> -> memref<100000x128xf32, #tpu.memory_space<hbm>>
      tpu.wait_indirect_dma semaphore(%arg10 : memref<!tpu.dma_semaphore, #tpu.memory_space<semaphore_mem>>) src(%dma_wait3A_267 : memref<100000x128xf32, #tpu.memory_space<hbm>>) dst(%dma_wait3A_261 : memref<50x128xf32, #tpu.memory_space<vmem>>)
      %mul3A_268 = arith.constant 4 : i32
      %mul3A_269 = arith.muli %add3A_234, %mul3A_268 : i32
      %add3A_270 = arith.constant 2 : i32
      %add3A_271 = arith.addi %mul3A_269, %add3A_270 : i32
      %dma_wait3A_272 = arith.constant 2 : i32
      %dma_wait3A_273 = arith.constant 0 : i32
      %dma_wait3A_274 = arith.constant 0 : i32
      %dma_wait3A_275 = tpu.memref_slice %arg6[%dma_wait3A_272, %dma_wait3A_273, %dma_wait3A_274] : memref<4x50x128xf32, #tpu.memory_space<vmem>> -> memref<1x50x128xf32, #tpu.memory_space<vmem>>
      %dma_wait3A_276 = tpu.memref_squeeze %dma_wait3A_275 : memref<1x50x128xf32, #tpu.memory_space<vmem>> -> memref<50x128xf32, #tpu.memory_space<vmem>>
      %dma_wait3A_277 = arith.constant 0 : i32
      %dma_wait3A_278 = tpu.memref_slice %arg5[%add3A_271, %dma_wait3A_277] : memref<128x50xi32, #tpu.memory_space<vmem>> -> memref<1x50xi32, #tpu.memory_space<vmem>>
      %dma_wait3A_279 = tpu.memref_squeeze %dma_wait3A_278 : memref<1x50xi32, #tpu.memory_space<vmem>> -> memref<50xi32, #tpu.memory_space<vmem>>
      %dma_wait3A_280 = arith.constant 0 : i32
      %dma_wait3A_281 = arith.constant 0 : i32
      %dma_wait3A_282 = tpu.memref_slice %arg2[%dma_wait3A_280, %dma_wait3A_281] : memref<100000x128xf32, #tpu.memory_space<hbm>> -> memref<100000x128xf32, #tpu.memory_space<hbm>>
      tpu.wait_indirect_dma semaphore(%arg10 : memref<!tpu.dma_semaphore, #tpu.memory_space<semaphore_mem>>) src(%dma_wait3A_282 : memref<100000x128xf32, #tpu.memory_space<hbm>>) dst(%dma_wait3A_276 : memref<50x128xf32, #tpu.memory_space<vmem>>)
      %mul3A_283 = arith.constant 4 : i32
      %mul3A_284 = arith.muli %add3A_234, %mul3A_283 : i32
      %add3A_285 = arith.constant 3 : i32
      %add3A_286 = arith.addi %mul3A_284, %add3A_285 : i32
      %dma_wait3A_287 = arith.constant 3 : i32
      %dma_wait3A_288 = arith.constant 0 : i32
      %dma_wait3A_289 = arith.constant 0 : i32
      %dma_wait3A_290 = tpu.memref_slice %arg6[%dma_wait3A_287, %dma_wait3A_288, %dma_wait3A_289] : memref<4x50x128xf32, #tpu.memory_space<vmem>> -> memref<1x50x128xf32, #tpu.memory_space<vmem>>
      %dma_wait3A_291 = tpu.memref_squeeze %dma_wait3A_290 : memref<1x50x128xf32, #tpu.memory_space<vmem>> -> memref<50x128xf32, #tpu.memory_space<vmem>>
      %dma_wait3A_292 = arith.constant 0 : i32
      %dma_wait3A_293 = tpu.memref_slice %arg5[%add3A_286, %dma_wait3A_292] : memref<128x50xi32, #tpu.memory_space<vmem>> -> memref<1x50xi32, #tpu.memory_space<vmem>>
      %dma_wait3A_294 = tpu.memref_squeeze %dma_wait3A_293 : memref<1x50xi32, #tpu.memory_space<vmem>> -> memref<50xi32, #tpu.memory_space<vmem>>
      %dma_wait3A_295 = arith.constant 0 : i32
      %dma_wait3A_296 = arith.constant 0 : i32
      %dma_wait3A_297 = tpu.memref_slice %arg2[%dma_wait3A_295, %dma_wait3A_296] : memref<100000x128xf32, #tpu.memory_space<hbm>> -> memref<100000x128xf32, #tpu.memory_space<hbm>>
      tpu.wait_indirect_dma semaphore(%arg10 : memref<!tpu.dma_semaphore, #tpu.memory_space<semaphore_mem>>) src(%dma_wait3A_297 : memref<100000x128xf32, #tpu.memory_space<hbm>>) dst(%dma_wait3A_291 : memref<50x128xf32, #tpu.memory_space<vmem>>)
      %dma_start3A_298 = arith.constant 0 : i32
      %dma_start3A_299 = arith.constant 0 : i32
      %dma_start3A_300 = tpu.memref_slice %arg4[%add3A_237, %dma_start3A_298, %dma_start3A_299] : memref<4096x50x128xf32, #tpu.memory_space<hbm>> -> memref<4x50x128xf32, #tpu.memory_space<hbm>>
      %dma_start3A_301 = arith.constant 0 : i32
      %dma_start3A_302 = arith.constant 0 : i32
      %dma_start3A_303 = tpu.memref_slice %arg4[%add3A_237, %dma_start3A_301, %dma_start3A_302] : memref<4096x50x128xf32, #tpu.memory_space<hbm>> -> memref<4x50x128xf32, #tpu.memory_space<hbm>>
      tpu.enqueue_dma source(%arg6 : memref<4x50x128xf32, #tpu.memory_space<vmem>>) target(%dma_start3A_303 : memref<4x50x128xf32, #tpu.memory_space<hbm>>) target_semaphore(%arg14 : memref<!tpu.dma_semaphore, #tpu.memory_space<semaphore_mem>>)
      %lt3A = arith.constant 7 : i32
      %lt3A_304 = arith.cmpi slt, %scan3A_230, %lt3A : i32
      %convert_element_type3A = arith.extui %lt3A_304 : i1 to i32
      %cond3A = arith.constant 0 : i32
      %cond3A_305 = arith.cmpi ne, %convert_element_type3A, %cond3A : i32
      scf.if %cond3A_305 {
        %dma_wait3A_534 = arith.constant 0 : i32
        %dma_wait3A_535 = arith.constant 0 : i32
        %dma_wait3A_536 = tpu.memref_slice %arg4[%add3A_237, %dma_wait3A_534, %dma_wait3A_535] : memref<4096x50x128xf32, #tpu.memory_space<hbm>> -> memref<4x50x128xf32, #tpu.memory_space<hbm>>
        %dma_wait3A_537 = arith.constant 0 : i32
        %dma_wait3A_538 = arith.constant 0 : i32
        %dma_wait3A_539 = tpu.memref_slice %arg4[%add3A_237, %dma_wait3A_537, %dma_wait3A_538] : memref<4096x50x128xf32, #tpu.memory_space<hbm>> -> memref<4x50x128xf32, #tpu.memory_space<hbm>>
        tpu.wait_dma2 semaphore(%arg14 : memref<!tpu.dma_semaphore, #tpu.memory_space<semaphore_mem>>) src(%arg6 : memref<4x50x128xf32, #tpu.memory_space<vmem>>) dst(%dma_wait3A_539 : memref<4x50x128xf32, #tpu.memory_space<hbm>>)
        %add3A_540 = arith.constant 4 : i32
        %add3A_541 = arith.addi %add3A_234, %add3A_540 : i32
        %mul3A_542 = arith.constant 4 : i32
        %mul3A_543 = arith.muli %add3A_541, %mul3A_542 : i32
        %add3A_544 = arith.constant 0 : i32
        %add3A_545 = arith.addi %mul3A_543, %add3A_544 : i32
        %dma_start3A_546 = arith.constant 0 : i32
        %dma_start3A_547 = arith.constant 0 : i32
        %dma_start3A_548 = arith.constant 0 : i32
        %dma_start3A_549 = tpu.memref_slice %arg6[%dma_start3A_546, %dma_start3A_547, %dma_start3A_548] : memref<4x50x128xf32, #tpu.memory_space<vmem>> -> memref<1x50x128xf32, #tpu.memory_space<vmem>>
        %dma_start3A_550 = tpu.memref_squeeze %dma_start3A_549 : memref<1x50x128xf32, #tpu.memory_space<vmem>> -> memref<50x128xf32, #tpu.memory_space<vmem>>
        %dma_start3A_551 = arith.constant 0 : i32
        %dma_start3A_552 = tpu.memref_slice %arg5[%add3A_545, %dma_start3A_551] : memref<128x50xi32, #tpu.memory_space<vmem>> -> memref<1x50xi32, #tpu.memory_space<vmem>>
        %dma_start3A_553 = tpu.memref_squeeze %dma_start3A_552 : memref<1x50xi32, #tpu.memory_space<vmem>> -> memref<50xi32, #tpu.memory_space<vmem>>
        %dma_start3A_554 = arith.constant 0 : i32
        %dma_start3A_555 = arith.constant 0 : i32
        %dma_start3A_556 = tpu.memref_slice %arg2[%dma_start3A_554, %dma_start3A_555] : memref<100000x128xf32, #tpu.memory_space<hbm>> -> memref<100000x128xf32, #tpu.memory_space<hbm>>
        tpu.enqueue_indirect_dma source(%dma_start3A_556 : memref<100000x128xf32, #tpu.memory_space<hbm>>) target(%dma_start3A_550 : memref<50x128xf32, #tpu.memory_space<vmem>>) offsets(%dma_start3A_553 : memref<50xi32, #tpu.memory_space<vmem>>) semaphore(%arg10 : memref<!tpu.dma_semaphore, #tpu.memory_space<semaphore_mem>>)
        %mul3A_557 = arith.constant 4 : i32
        %mul3A_558 = arith.muli %add3A_541, %mul3A_557 : i32
        %add3A_559 = arith.constant 1 : i32
        %add3A_560 = arith.addi %mul3A_558, %add3A_559 : i32
        %dma_start3A_561 = arith.constant 1 : i32
        %dma_start3A_562 = arith.constant 0 : i32
        %dma_start3A_563 = arith.constant 0 : i32
        %dma_start3A_564 = tpu.memref_slice %arg6[%dma_start3A_561, %dma_start3A_562, %dma_start3A_563] : memref<4x50x128xf32, #tpu.memory_space<vmem>> -> memref<1x50x128xf32, #tpu.memory_space<vmem>>
        %dma_start3A_565 = tpu.memref_squeeze %dma_start3A_564 : memref<1x50x128xf32, #tpu.memory_space<vmem>> -> memref<50x128xf32, #tpu.memory_space<vmem>>
        %dma_start3A_566 = arith.constant 0 : i32
        %dma_start3A_567 = tpu.memref_slice %arg5[%add3A_560, %dma_start3A_566] : memref<128x50xi32, #tpu.memory_space<vmem>> -> memref<1x50xi32, #tpu.memory_space<vmem>>
        %dma_start3A_568 = tpu.memref_squeeze %dma_start3A_567 : memref<1x50xi32, #tpu.memory_space<vmem>> -> memref<50xi32, #tpu.memory_space<vmem>>
        %dma_start3A_569 = arith.constant 0 : i32
        %dma_start3A_570 = arith.constant 0 : i32
        %dma_start3A_571 = tpu.memref_slice %arg2[%dma_start3A_569, %dma_start3A_570] : memref<100000x128xf32, #tpu.memory_space<hbm>> -> memref<100000x128xf32, #tpu.memory_space<hbm>>
        tpu.enqueue_indirect_dma source(%dma_start3A_571 : memref<100000x128xf32, #tpu.memory_space<hbm>>) target(%dma_start3A_565 : memref<50x128xf32, #tpu.memory_space<vmem>>) offsets(%dma_start3A_568 : memref<50xi32, #tpu.memory_space<vmem>>) semaphore(%arg10 : memref<!tpu.dma_semaphore, #tpu.memory_space<semaphore_mem>>)
        %mul3A_572 = arith.constant 4 : i32
        %mul3A_573 = arith.muli %add3A_541, %mul3A_572 : i32
        %add3A_574 = arith.constant 2 : i32
        %add3A_575 = arith.addi %mul3A_573, %add3A_574 : i32
        %dma_start3A_576 = arith.constant 2 : i32
        %dma_start3A_577 = arith.constant 0 : i32
        %dma_start3A_578 = arith.constant 0 : i32
        %dma_start3A_579 = tpu.memref_slice %arg6[%dma_start3A_576, %dma_start3A_577, %dma_start3A_578] : memref<4x50x128xf32, #tpu.memory_space<vmem>> -> memref<1x50x128xf32, #tpu.memory_space<vmem>>
        %dma_start3A_580 = tpu.memref_squeeze %dma_start3A_579 : memref<1x50x128xf32, #tpu.memory_space<vmem>> -> memref<50x128xf32, #tpu.memory_space<vmem>>
        %dma_start3A_581 = arith.constant 0 : i32
        %dma_start3A_582 = tpu.memref_slice %arg5[%add3A_575, %dma_start3A_581] : memref<128x50xi32, #tpu.memory_space<vmem>> -> memref<1x50xi32, #tpu.memory_space<vmem>>
        %dma_start3A_583 = tpu.memref_squeeze %dma_start3A_582 : memref<1x50xi32, #tpu.memory_space<vmem>> -> memref<50xi32, #tpu.memory_space<vmem>>
        %dma_start3A_584 = arith.constant 0 : i32
        %dma_start3A_585 = arith.constant 0 : i32
        %dma_start3A_586 = tpu.memref_slice %arg2[%dma_start3A_584, %dma_start3A_585] : memref<100000x128xf32, #tpu.memory_space<hbm>> -> memref<100000x128xf32, #tpu.memory_space<hbm>>
        tpu.enqueue_indirect_dma source(%dma_start3A_586 : memref<100000x128xf32, #tpu.memory_space<hbm>>) target(%dma_start3A_580 : memref<50x128xf32, #tpu.memory_space<vmem>>) offsets(%dma_start3A_583 : memref<50xi32, #tpu.memory_space<vmem>>) semaphore(%arg10 : memref<!tpu.dma_semaphore, #tpu.memory_space<semaphore_mem>>)
        %mul3A_587 = arith.constant 4 : i32
        %mul3A_588 = arith.muli %add3A_541, %mul3A_587 : i32
        %add3A_589 = arith.constant 3 : i32
        %add3A_590 = arith.addi %mul3A_588, %add3A_589 : i32
        %dma_start3A_591 = arith.constant 3 : i32
        %dma_start3A_592 = arith.constant 0 : i32
        %dma_start3A_593 = arith.constant 0 : i32
        %dma_start3A_594 = tpu.memref_slice %arg6[%dma_start3A_591, %dma_start3A_592, %dma_start3A_593] : memref<4x50x128xf32, #tpu.memory_space<vmem>> -> memref<1x50x128xf32, #tpu.memory_space<vmem>>
        %dma_start3A_595 = tpu.memref_squeeze %dma_start3A_594 : memref<1x50x128xf32, #tpu.memory_space<vmem>> -> memref<50x128xf32, #tpu.memory_space<vmem>>
        %dma_start3A_596 = arith.constant 0 : i32
        %dma_start3A_597 = tpu.memref_slice %arg5[%add3A_590, %dma_start3A_596] : memref<128x50xi32, #tpu.memory_space<vmem>> -> memref<1x50xi32, #tpu.memory_space<vmem>>
        %dma_start3A_598 = tpu.memref_squeeze %dma_start3A_597 : memref<1x50xi32, #tpu.memory_space<vmem>> -> memref<50xi32, #tpu.memory_space<vmem>>
        %dma_start3A_599 = arith.constant 0 : i32
        %dma_start3A_600 = arith.constant 0 : i32
        %dma_start3A_601 = tpu.memref_slice %arg2[%dma_start3A_599, %dma_start3A_600] : memref<100000x128xf32, #tpu.memory_space<hbm>> -> memref<100000x128xf32, #tpu.memory_space<hbm>>
        tpu.enqueue_indirect_dma source(%dma_start3A_601 : memref<100000x128xf32, #tpu.memory_space<hbm>>) target(%dma_start3A_595 : memref<50x128xf32, #tpu.memory_space<vmem>>) offsets(%dma_start3A_598 : memref<50xi32, #tpu.memory_space<vmem>>) semaphore(%arg10 : memref<!tpu.dma_semaphore, #tpu.memory_space<semaphore_mem>>)
      } else {
      }
      %add3A_306 = arith.constant 1 : i32
      %add3A_307 = arith.addi %mul3A_232, %add3A_306 : i32
      %mul3A_308 = arith.constant 4 : i32
      %mul3A_309 = arith.muli %add3A_307, %mul3A_308 : i32
      %add3A_310 = arith.addi %mul3A_2, %mul3A_309 : i32
      %mul3A_311 = arith.constant 4 : i32
      %mul3A_312 = arith.muli %add3A_307, %mul3A_311 : i32
      %add3A_313 = arith.constant 0 : i32
      %add3A_314 = arith.addi %mul3A_312, %add3A_313 : i32
      %dma_wait3A_315 = arith.constant 0 : i32
      %dma_wait3A_316 = arith.constant 0 : i32
      %dma_wait3A_317 = arith.constant 0 : i32
      %dma_wait3A_318 = tpu.memref_slice %arg7[%dma_wait3A_315, %dma_wait3A_316, %dma_wait3A_317] : memref<4x50x128xf32, #tpu.memory_space<vmem>> -> memref<1x50x128xf32, #tpu.memory_space<vmem>>
      %dma_wait3A_319 = tpu.memref_squeeze %dma_wait3A_318 : memref<1x50x128xf32, #tpu.memory_space<vmem>> -> memref<50x128xf32, #tpu.memory_space<vmem>>
      %dma_wait3A_320 = arith.constant 0 : i32
      %dma_wait3A_321 = tpu.memref_slice %arg5[%add3A_314, %dma_wait3A_320] : memref<128x50xi32, #tpu.memory_space<vmem>> -> memref<1x50xi32, #tpu.memory_space<vmem>>
      %dma_wait3A_322 = tpu.memref_squeeze %dma_wait3A_321 : memref<1x50xi32, #tpu.memory_space<vmem>> -> memref<50xi32, #tpu.memory_space<vmem>>
      %dma_wait3A_323 = arith.constant 0 : i32
      %dma_wait3A_324 = arith.constant 0 : i32
      %dma_wait3A_325 = tpu.memref_slice %arg2[%dma_wait3A_323, %dma_wait3A_324] : memref<100000x128xf32, #tpu.memory_space<hbm>> -> memref<100000x128xf32, #tpu.memory_space<hbm>>
      tpu.wait_indirect_dma semaphore(%arg11 : memref<!tpu.dma_semaphore, #tpu.memory_space<semaphore_mem>>) src(%dma_wait3A_325 : memref<100000x128xf32, #tpu.memory_space<hbm>>) dst(%dma_wait3A_319 : memref<50x128xf32, #tpu.memory_space<vmem>>)
      %mul3A_326 = arith.constant 4 : i32
      %mul3A_327 = arith.muli %add3A_307, %mul3A_326 : i32
      %add3A_328 = arith.constant 1 : i32
      %add3A_329 = arith.addi %mul3A_327, %add3A_328 : i32
      %dma_wait3A_330 = arith.constant 1 : i32
      %dma_wait3A_331 = arith.constant 0 : i32
      %dma_wait3A_332 = arith.constant 0 : i32
      %dma_wait3A_333 = tpu.memref_slice %arg7[%dma_wait3A_330, %dma_wait3A_331, %dma_wait3A_332] : memref<4x50x128xf32, #tpu.memory_space<vmem>> -> memref<1x50x128xf32, #tpu.memory_space<vmem>>
      %dma_wait3A_334 = tpu.memref_squeeze %dma_wait3A_333 : memref<1x50x128xf32, #tpu.memory_space<vmem>> -> memref<50x128xf32, #tpu.memory_space<vmem>>
      %dma_wait3A_335 = arith.constant 0 : i32
      %dma_wait3A_336 = tpu.memref_slice %arg5[%add3A_329, %dma_wait3A_335] : memref<128x50xi32, #tpu.memory_space<vmem>> -> memref<1x50xi32, #tpu.memory_space<vmem>>
      %dma_wait3A_337 = tpu.memref_squeeze %dma_wait3A_336 : memref<1x50xi32, #tpu.memory_space<vmem>> -> memref<50xi32, #tpu.memory_space<vmem>>
      %dma_wait3A_338 = arith.constant 0 : i32
      %dma_wait3A_339 = arith.constant 0 : i32
      %dma_wait3A_340 = tpu.memref_slice %arg2[%dma_wait3A_338, %dma_wait3A_339] : memref<100000x128xf32, #tpu.memory_space<hbm>> -> memref<100000x128xf32, #tpu.memory_space<hbm>>
      tpu.wait_indirect_dma semaphore(%arg11 : memref<!tpu.dma_semaphore, #tpu.memory_space<semaphore_mem>>) src(%dma_wait3A_340 : memref<100000x128xf32, #tpu.memory_space<hbm>>) dst(%dma_wait3A_334 : memref<50x128xf32, #tpu.memory_space<vmem>>)
      %mul3A_341 = arith.constant 4 : i32
      %mul3A_342 = arith.muli %add3A_307, %mul3A_341 : i32
      %add3A_343 = arith.constant 2 : i32
      %add3A_344 = arith.addi %mul3A_342, %add3A_343 : i32
      %dma_wait3A_345 = arith.constant 2 : i32
      %dma_wait3A_346 = arith.constant 0 : i32
      %dma_wait3A_347 = arith.constant 0 : i32
      %dma_wait3A_348 = tpu.memref_slice %arg7[%dma_wait3A_345, %dma_wait3A_346, %dma_wait3A_347] : memref<4x50x128xf32, #tpu.memory_space<vmem>> -> memref<1x50x128xf32, #tpu.memory_space<vmem>>
      %dma_wait3A_349 = tpu.memref_squeeze %dma_wait3A_348 : memref<1x50x128xf32, #tpu.memory_space<vmem>> -> memref<50x128xf32, #tpu.memory_space<vmem>>
      %dma_wait3A_350 = arith.constant 0 : i32
      %dma_wait3A_351 = tpu.memref_slice %arg5[%add3A_344, %dma_wait3A_350] : memref<128x50xi32, #tpu.memory_space<vmem>> -> memref<1x50xi32, #tpu.memory_space<vmem>>
      %dma_wait3A_352 = tpu.memref_squeeze %dma_wait3A_351 : memref<1x50xi32, #tpu.memory_space<vmem>> -> memref<50xi32, #tpu.memory_space<vmem>>
      %dma_wait3A_353 = arith.constant 0 : i32
      %dma_wait3A_354 = arith.constant 0 : i32
      %dma_wait3A_355 = tpu.memref_slice %arg2[%dma_wait3A_353, %dma_wait3A_354] : memref<100000x128xf32, #tpu.memory_space<hbm>> -> memref<100000x128xf32, #tpu.memory_space<hbm>>
      tpu.wait_indirect_dma semaphore(%arg11 : memref<!tpu.dma_semaphore, #tpu.memory_space<semaphore_mem>>) src(%dma_wait3A_355 : memref<100000x128xf32, #tpu.memory_space<hbm>>) dst(%dma_wait3A_349 : memref<50x128xf32, #tpu.memory_space<vmem>>)
      %mul3A_356 = arith.constant 4 : i32
      %mul3A_357 = arith.muli %add3A_307, %mul3A_356 : i32
      %add3A_358 = arith.constant 3 : i32
      %add3A_359 = arith.addi %mul3A_357, %add3A_358 : i32
      %dma_wait3A_360 = arith.constant 3 : i32
      %dma_wait3A_361 = arith.constant 0 : i32
      %dma_wait3A_362 = arith.constant 0 : i32
      %dma_wait3A_363 = tpu.memref_slice %arg7[%dma_wait3A_360, %dma_wait3A_361, %dma_wait3A_362] : memref<4x50x128xf32, #tpu.memory_space<vmem>> -> memref<1x50x128xf32, #tpu.memory_space<vmem>>
      %dma_wait3A_364 = tpu.memref_squeeze %dma_wait3A_363 : memref<1x50x128xf32, #tpu.memory_space<vmem>> -> memref<50x128xf32, #tpu.memory_space<vmem>>
      %dma_wait3A_365 = arith.constant 0 : i32
      %dma_wait3A_366 = tpu.memref_slice %arg5[%add3A_359, %dma_wait3A_365] : memref<128x50xi32, #tpu.memory_space<vmem>> -> memref<1x50xi32, #tpu.memory_space<vmem>>
      %dma_wait3A_367 = tpu.memref_squeeze %dma_wait3A_366 : memref<1x50xi32, #tpu.memory_space<vmem>> -> memref<50xi32, #tpu.memory_space<vmem>>
      %dma_wait3A_368 = arith.constant 0 : i32
      %dma_wait3A_369 = arith.constant 0 : i32
      %dma_wait3A_370 = tpu.memref_slice %arg2[%dma_wait3A_368, %dma_wait3A_369] : memref<100000x128xf32, #tpu.memory_space<hbm>> -> memref<100000x128xf32, #tpu.memory_space<hbm>>
      tpu.wait_indirect_dma semaphore(%arg11 : memref<!tpu.dma_semaphore, #tpu.memory_space<semaphore_mem>>) src(%dma_wait3A_370 : memref<100000x128xf32, #tpu.memory_space<hbm>>) dst(%dma_wait3A_364 : memref<50x128xf32, #tpu.memory_space<vmem>>)
      %dma_start3A_371 = arith.constant 0 : i32
      %dma_start3A_372 = arith.constant 0 : i32
      %dma_start3A_373 = tpu.memref_slice %arg4[%add3A_310, %dma_start3A_371, %dma_start3A_372] : memref<4096x50x128xf32, #tpu.memory_space<hbm>> -> memref<4x50x128xf32, #tpu.memory_space<hbm>>
      %dma_start3A_374 = arith.constant 0 : i32
      %dma_start3A_375 = arith.constant 0 : i32
      %dma_start3A_376 = tpu.memref_slice %arg4[%add3A_310, %dma_start3A_374, %dma_start3A_375] : memref<4096x50x128xf32, #tpu.memory_space<hbm>> -> memref<4x50x128xf32, #tpu.memory_space<hbm>>
      tpu.enqueue_dma source(%arg7 : memref<4x50x128xf32, #tpu.memory_space<vmem>>) target(%dma_start3A_376 : memref<4x50x128xf32, #tpu.memory_space<hbm>>) target_semaphore(%arg15 : memref<!tpu.dma_semaphore, #tpu.memory_space<semaphore_mem>>)
      %lt3A_377 = arith.constant 7 : i32
      %lt3A_378 = arith.cmpi slt, %scan3A_230, %lt3A_377 : i32
      %convert_element_type3A_379 = arith.extui %lt3A_378 : i1 to i32
      %cond3A_380 = arith.constant 0 : i32
      %cond3A_381 = arith.cmpi ne, %convert_element_type3A_379, %cond3A_380 : i32
      scf.if %cond3A_381 {
        %dma_wait3A_534 = arith.constant 0 : i32
        %dma_wait3A_535 = arith.constant 0 : i32
        %dma_wait3A_536 = tpu.memref_slice %arg4[%add3A_310, %dma_wait3A_534, %dma_wait3A_535] : memref<4096x50x128xf32, #tpu.memory_space<hbm>> -> memref<4x50x128xf32, #tpu.memory_space<hbm>>
        %dma_wait3A_537 = arith.constant 0 : i32
        %dma_wait3A_538 = arith.constant 0 : i32
        %dma_wait3A_539 = tpu.memref_slice %arg4[%add3A_310, %dma_wait3A_537, %dma_wait3A_538] : memref<4096x50x128xf32, #tpu.memory_space<hbm>> -> memref<4x50x128xf32, #tpu.memory_space<hbm>>
        tpu.wait_dma2 semaphore(%arg15 : memref<!tpu.dma_semaphore, #tpu.memory_space<semaphore_mem>>) src(%arg7 : memref<4x50x128xf32, #tpu.memory_space<vmem>>) dst(%dma_wait3A_539 : memref<4x50x128xf32, #tpu.memory_space<hbm>>)
        %add3A_540 = arith.constant 4 : i32
        %add3A_541 = arith.addi %add3A_307, %add3A_540 : i32
        %mul3A_542 = arith.constant 4 : i32
        %mul3A_543 = arith.muli %add3A_541, %mul3A_542 : i32
        %add3A_544 = arith.constant 0 : i32
        %add3A_545 = arith.addi %mul3A_543, %add3A_544 : i32
        %dma_start3A_546 = arith.constant 0 : i32
        %dma_start3A_547 = arith.constant 0 : i32
        %dma_start3A_548 = arith.constant 0 : i32
        %dma_start3A_549 = tpu.memref_slice %arg7[%dma_start3A_546, %dma_start3A_547, %dma_start3A_548] : memref<4x50x128xf32, #tpu.memory_space<vmem>> -> memref<1x50x128xf32, #tpu.memory_space<vmem>>
        %dma_start3A_550 = tpu.memref_squeeze %dma_start3A_549 : memref<1x50x128xf32, #tpu.memory_space<vmem>> -> memref<50x128xf32, #tpu.memory_space<vmem>>
        %dma_start3A_551 = arith.constant 0 : i32
        %dma_start3A_552 = tpu.memref_slice %arg5[%add3A_545, %dma_start3A_551] : memref<128x50xi32, #tpu.memory_space<vmem>> -> memref<1x50xi32, #tpu.memory_space<vmem>>
        %dma_start3A_553 = tpu.memref_squeeze %dma_start3A_552 : memref<1x50xi32, #tpu.memory_space<vmem>> -> memref<50xi32, #tpu.memory_space<vmem>>
        %dma_start3A_554 = arith.constant 0 : i32
        %dma_start3A_555 = arith.constant 0 : i32
        %dma_start3A_556 = tpu.memref_slice %arg2[%dma_start3A_554, %dma_start3A_555] : memref<100000x128xf32, #tpu.memory_space<hbm>> -> memref<100000x128xf32, #tpu.memory_space<hbm>>
        tpu.enqueue_indirect_dma source(%dma_start3A_556 : memref<100000x128xf32, #tpu.memory_space<hbm>>) target(%dma_start3A_550 : memref<50x128xf32, #tpu.memory_space<vmem>>) offsets(%dma_start3A_553 : memref<50xi32, #tpu.memory_space<vmem>>) semaphore(%arg11 : memref<!tpu.dma_semaphore, #tpu.memory_space<semaphore_mem>>)
        %mul3A_557 = arith.constant 4 : i32
        %mul3A_558 = arith.muli %add3A_541, %mul3A_557 : i32
        %add3A_559 = arith.constant 1 : i32
        %add3A_560 = arith.addi %mul3A_558, %add3A_559 : i32
        %dma_start3A_561 = arith.constant 1 : i32
        %dma_start3A_562 = arith.constant 0 : i32
        %dma_start3A_563 = arith.constant 0 : i32
        %dma_start3A_564 = tpu.memref_slice %arg7[%dma_start3A_561, %dma_start3A_562, %dma_start3A_563] : memref<4x50x128xf32, #tpu.memory_space<vmem>> -> memref<1x50x128xf32, #tpu.memory_space<vmem>>
        %dma_start3A_565 = tpu.memref_squeeze %dma_start3A_564 : memref<1x50x128xf32, #tpu.memory_space<vmem>> -> memref<50x128xf32, #tpu.memory_space<vmem>>
        %dma_start3A_566 = arith.constant 0 : i32
        %dma_start3A_567 = tpu.memref_slice %arg5[%add3A_560, %dma_start3A_566] : memref<128x50xi32, #tpu.memory_space<vmem>> -> memref<1x50xi32, #tpu.memory_space<vmem>>
        %dma_start3A_568 = tpu.memref_squeeze %dma_start3A_567 : memref<1x50xi32, #tpu.memory_space<vmem>> -> memref<50xi32, #tpu.memory_space<vmem>>
        %dma_start3A_569 = arith.constant 0 : i32
        %dma_start3A_570 = arith.constant 0 : i32
        %dma_start3A_571 = tpu.memref_slice %arg2[%dma_start3A_569, %dma_start3A_570] : memref<100000x128xf32, #tpu.memory_space<hbm>> -> memref<100000x128xf32, #tpu.memory_space<hbm>>
        tpu.enqueue_indirect_dma source(%dma_start3A_571 : memref<100000x128xf32, #tpu.memory_space<hbm>>) target(%dma_start3A_565 : memref<50x128xf32, #tpu.memory_space<vmem>>) offsets(%dma_start3A_568 : memref<50xi32, #tpu.memory_space<vmem>>) semaphore(%arg11 : memref<!tpu.dma_semaphore, #tpu.memory_space<semaphore_mem>>)
        %mul3A_572 = arith.constant 4 : i32
        %mul3A_573 = arith.muli %add3A_541, %mul3A_572 : i32
        %add3A_574 = arith.constant 2 : i32
        %add3A_575 = arith.addi %mul3A_573, %add3A_574 : i32
        %dma_start3A_576 = arith.constant 2 : i32
        %dma_start3A_577 = arith.constant 0 : i32
        %dma_start3A_578 = arith.constant 0 : i32
        %dma_start3A_579 = tpu.memref_slice %arg7[%dma_start3A_576, %dma_start3A_577, %dma_start3A_578] : memref<4x50x128xf32, #tpu.memory_space<vmem>> -> memref<1x50x128xf32, #tpu.memory_space<vmem>>
        %dma_start3A_580 = tpu.memref_squeeze %dma_start3A_579 : memref<1x50x128xf32, #tpu.memory_space<vmem>> -> memref<50x128xf32, #tpu.memory_space<vmem>>
        %dma_start3A_581 = arith.constant 0 : i32
        %dma_start3A_582 = tpu.memref_slice %arg5[%add3A_575, %dma_start3A_581] : memref<128x50xi32, #tpu.memory_space<vmem>> -> memref<1x50xi32, #tpu.memory_space<vmem>>
        %dma_start3A_583 = tpu.memref_squeeze %dma_start3A_582 : memref<1x50xi32, #tpu.memory_space<vmem>> -> memref<50xi32, #tpu.memory_space<vmem>>
        %dma_start3A_584 = arith.constant 0 : i32
        %dma_start3A_585 = arith.constant 0 : i32
        %dma_start3A_586 = tpu.memref_slice %arg2[%dma_start3A_584, %dma_start3A_585] : memref<100000x128xf32, #tpu.memory_space<hbm>> -> memref<100000x128xf32, #tpu.memory_space<hbm>>
        tpu.enqueue_indirect_dma source(%dma_start3A_586 : memref<100000x128xf32, #tpu.memory_space<hbm>>) target(%dma_start3A_580 : memref<50x128xf32, #tpu.memory_space<vmem>>) offsets(%dma_start3A_583 : memref<50xi32, #tpu.memory_space<vmem>>) semaphore(%arg11 : memref<!tpu.dma_semaphore, #tpu.memory_space<semaphore_mem>>)
        %mul3A_587 = arith.constant 4 : i32
        %mul3A_588 = arith.muli %add3A_541, %mul3A_587 : i32
        %add3A_589 = arith.constant 3 : i32
        %add3A_590 = arith.addi %mul3A_588, %add3A_589 : i32
        %dma_start3A_591 = arith.constant 3 : i32
        %dma_start3A_592 = arith.constant 0 : i32
        %dma_start3A_593 = arith.constant 0 : i32
        %dma_start3A_594 = tpu.memref_slice %arg7[%dma_start3A_591, %dma_start3A_592, %dma_start3A_593] : memref<4x50x128xf32, #tpu.memory_space<vmem>> -> memref<1x50x128xf32, #tpu.memory_space<vmem>>
        %dma_start3A_595 = tpu.memref_squeeze %dma_start3A_594 : memref<1x50x128xf32, #tpu.memory_space<vmem>> -> memref<50x128xf32, #tpu.memory_space<vmem>>
        %dma_start3A_596 = arith.constant 0 : i32
        %dma_start3A_597 = tpu.memref_slice %arg5[%add3A_590, %dma_start3A_596] : memref<128x50xi32, #tpu.memory_space<vmem>> -> memref<1x50xi32, #tpu.memory_space<vmem>>
        %dma_start3A_598 = tpu.memref_squeeze %dma_start3A_597 : memref<1x50xi32, #tpu.memory_space<vmem>> -> memref<50xi32, #tpu.memory_space<vmem>>
        %dma_start3A_599 = arith.constant 0 : i32
        %dma_start3A_600 = arith.constant 0 : i32
        %dma_start3A_601 = tpu.memref_slice %arg2[%dma_start3A_599, %dma_start3A_600] : memref<100000x128xf32, #tpu.memory_space<hbm>> -> memref<100000x128xf32, #tpu.memory_space<hbm>>
        tpu.enqueue_indirect_dma source(%dma_start3A_601 : memref<100000x128xf32, #tpu.memory_space<hbm>>) target(%dma_start3A_595 : memref<50x128xf32, #tpu.memory_space<vmem>>) offsets(%dma_start3A_598 : memref<50xi32, #tpu.memory_space<vmem>>) semaphore(%arg11 : memref<!tpu.dma_semaphore, #tpu.memory_space<semaphore_mem>>)
      } else {
      }
      %add3A_382 = arith.constant 2 : i32
      %add3A_383 = arith.addi %mul3A_232, %add3A_382 : i32
      %mul3A_384 = arith.constant 4 : i32
      %mul3A_385 = arith.muli %add3A_383, %mul3A_384 : i32
      %add3A_386 = arith.addi %mul3A_2, %mul3A_385 : i32
      %mul3A_387 = arith.constant 4 : i32
      %mul3A_388 = arith.muli %add3A_383, %mul3A_387 : i32
      %add3A_389 = arith.constant 0 : i32
      %add3A_390 = arith.addi %mul3A_388, %add3A_389 : i32
      %dma_wait3A_391 = arith.constant 0 : i32
      %dma_wait3A_392 = arith.constant 0 : i32
      %dma_wait3A_393 = arith.constant 0 : i32
      %dma_wait3A_394 = tpu.memref_slice %arg8[%dma_wait3A_391, %dma_wait3A_392, %dma_wait3A_393] : memref<4x50x128xf32, #tpu.memory_space<vmem>> -> memref<1x50x128xf32, #tpu.memory_space<vmem>>
      %dma_wait3A_395 = tpu.memref_squeeze %dma_wait3A_394 : memref<1x50x128xf32, #tpu.memory_space<vmem>> -> memref<50x128xf32, #tpu.memory_space<vmem>>
      %dma_wait3A_396 = arith.constant 0 : i32
      %dma_wait3A_397 = tpu.memref_slice %arg5[%add3A_390, %dma_wait3A_396] : memref<128x50xi32, #tpu.memory_space<vmem>> -> memref<1x50xi32, #tpu.memory_space<vmem>>
      %dma_wait3A_398 = tpu.memref_squeeze %dma_wait3A_397 : memref<1x50xi32, #tpu.memory_space<vmem>> -> memref<50xi32, #tpu.memory_space<vmem>>
      %dma_wait3A_399 = arith.constant 0 : i32
      %dma_wait3A_400 = arith.constant 0 : i32
      %dma_wait3A_401 = tpu.memref_slice %arg2[%dma_wait3A_399, %dma_wait3A_400] : memref<100000x128xf32, #tpu.memory_space<hbm>> -> memref<100000x128xf32, #tpu.memory_space<hbm>>
      tpu.wait_indirect_dma semaphore(%arg12 : memref<!tpu.dma_semaphore, #tpu.memory_space<semaphore_mem>>) src(%dma_wait3A_401 : memref<100000x128xf32, #tpu.memory_space<hbm>>) dst(%dma_wait3A_395 : memref<50x128xf32, #tpu.memory_space<vmem>>)
      %mul3A_402 = arith.constant 4 : i32
      %mul3A_403 = arith.muli %add3A_383, %mul3A_402 : i32
      %add3A_404 = arith.constant 1 : i32
      %add3A_405 = arith.addi %mul3A_403, %add3A_404 : i32
      %dma_wait3A_406 = arith.constant 1 : i32
      %dma_wait3A_407 = arith.constant 0 : i32
      %dma_wait3A_408 = arith.constant 0 : i32
      %dma_wait3A_409 = tpu.memref_slice %arg8[%dma_wait3A_406, %dma_wait3A_407, %dma_wait3A_408] : memref<4x50x128xf32, #tpu.memory_space<vmem>> -> memref<1x50x128xf32, #tpu.memory_space<vmem>>
      %dma_wait3A_410 = tpu.memref_squeeze %dma_wait3A_409 : memref<1x50x128xf32, #tpu.memory_space<vmem>> -> memref<50x128xf32, #tpu.memory_space<vmem>>
      %dma_wait3A_411 = arith.constant 0 : i32
      %dma_wait3A_412 = tpu.memref_slice %arg5[%add3A_405, %dma_wait3A_411] : memref<128x50xi32, #tpu.memory_space<vmem>> -> memref<1x50xi32, #tpu.memory_space<vmem>>
      %dma_wait3A_413 = tpu.memref_squeeze %dma_wait3A_412 : memref<1x50xi32, #tpu.memory_space<vmem>> -> memref<50xi32, #tpu.memory_space<vmem>>
      %dma_wait3A_414 = arith.constant 0 : i32
      %dma_wait3A_415 = arith.constant 0 : i32
      %dma_wait3A_416 = tpu.memref_slice %arg2[%dma_wait3A_414, %dma_wait3A_415] : memref<100000x128xf32, #tpu.memory_space<hbm>> -> memref<100000x128xf32, #tpu.memory_space<hbm>>
      tpu.wait_indirect_dma semaphore(%arg12 : memref<!tpu.dma_semaphore, #tpu.memory_space<semaphore_mem>>) src(%dma_wait3A_416 : memref<100000x128xf32, #tpu.memory_space<hbm>>) dst(%dma_wait3A_410 : memref<50x128xf32, #tpu.memory_space<vmem>>)
      %mul3A_417 = arith.constant 4 : i32
      %mul3A_418 = arith.muli %add3A_383, %mul3A_417 : i32
      %add3A_419 = arith.constant 2 : i32
      %add3A_420 = arith.addi %mul3A_418, %add3A_419 : i32
      %dma_wait3A_421 = arith.constant 2 : i32
      %dma_wait3A_422 = arith.constant 0 : i32
      %dma_wait3A_423 = arith.constant 0 : i32
      %dma_wait3A_424 = tpu.memref_slice %arg8[%dma_wait3A_421, %dma_wait3A_422, %dma_wait3A_423] : memref<4x50x128xf32, #tpu.memory_space<vmem>> -> memref<1x50x128xf32, #tpu.memory_space<vmem>>
      %dma_wait3A_425 = tpu.memref_squeeze %dma_wait3A_424 : memref<1x50x128xf32, #tpu.memory_space<vmem>> -> memref<50x128xf32, #tpu.memory_space<vmem>>
      %dma_wait3A_426 = arith.constant 0 : i32
      %dma_wait3A_427 = tpu.memref_slice %arg5[%add3A_420, %dma_wait3A_426] : memref<128x50xi32, #tpu.memory_space<vmem>> -> memref<1x50xi32, #tpu.memory_space<vmem>>
      %dma_wait3A_428 = tpu.memref_squeeze %dma_wait3A_427 : memref<1x50xi32, #tpu.memory_space<vmem>> -> memref<50xi32, #tpu.memory_space<vmem>>
      %dma_wait3A_429 = arith.constant 0 : i32
      %dma_wait3A_430 = arith.constant 0 : i32
      %dma_wait3A_431 = tpu.memref_slice %arg2[%dma_wait3A_429, %dma_wait3A_430] : memref<100000x128xf32, #tpu.memory_space<hbm>> -> memref<100000x128xf32, #tpu.memory_space<hbm>>
      tpu.wait_indirect_dma semaphore(%arg12 : memref<!tpu.dma_semaphore, #tpu.memory_space<semaphore_mem>>) src(%dma_wait3A_431 : memref<100000x128xf32, #tpu.memory_space<hbm>>) dst(%dma_wait3A_425 : memref<50x128xf32, #tpu.memory_space<vmem>>)
      %mul3A_432 = arith.constant 4 : i32
      %mul3A_433 = arith.muli %add3A_383, %mul3A_432 : i32
      %add3A_434 = arith.constant 3 : i32
      %add3A_435 = arith.addi %mul3A_433, %add3A_434 : i32
      %dma_wait3A_436 = arith.constant 3 : i32
      %dma_wait3A_437 = arith.constant 0 : i32
      %dma_wait3A_438 = arith.constant 0 : i32
      %dma_wait3A_439 = tpu.memref_slice %arg8[%dma_wait3A_436, %dma_wait3A_437, %dma_wait3A_438] : memref<4x50x128xf32, #tpu.memory_space<vmem>> -> memref<1x50x128xf32, #tpu.memory_space<vmem>>
      %dma_wait3A_440 = tpu.memref_squeeze %dma_wait3A_439 : memref<1x50x128xf32, #tpu.memory_space<vmem>> -> memref<50x128xf32, #tpu.memory_space<vmem>>
      %dma_wait3A_441 = arith.constant 0 : i32
      %dma_wait3A_442 = tpu.memref_slice %arg5[%add3A_435, %dma_wait3A_441] : memref<128x50xi32, #tpu.memory_space<vmem>> -> memref<1x50xi32, #tpu.memory_space<vmem>>
      %dma_wait3A_443 = tpu.memref_squeeze %dma_wait3A_442 : memref<1x50xi32, #tpu.memory_space<vmem>> -> memref<50xi32, #tpu.memory_space<vmem>>
      %dma_wait3A_444 = arith.constant 0 : i32
      %dma_wait3A_445 = arith.constant 0 : i32
      %dma_wait3A_446 = tpu.memref_slice %arg2[%dma_wait3A_444, %dma_wait3A_445] : memref<100000x128xf32, #tpu.memory_space<hbm>> -> memref<100000x128xf32, #tpu.memory_space<hbm>>
      tpu.wait_indirect_dma semaphore(%arg12 : memref<!tpu.dma_semaphore, #tpu.memory_space<semaphore_mem>>) src(%dma_wait3A_446 : memref<100000x128xf32, #tpu.memory_space<hbm>>) dst(%dma_wait3A_440 : memref<50x128xf32, #tpu.memory_space<vmem>>)
      %dma_start3A_447 = arith.constant 0 : i32
      %dma_start3A_448 = arith.constant 0 : i32
      %dma_start3A_449 = tpu.memref_slice %arg4[%add3A_386, %dma_start3A_447, %dma_start3A_448] : memref<4096x50x128xf32, #tpu.memory_space<hbm>> -> memref<4x50x128xf32, #tpu.memory_space<hbm>>
      %dma_start3A_450 = arith.constant 0 : i32
      %dma_start3A_451 = arith.constant 0 : i32
      %dma_start3A_452 = tpu.memref_slice %arg4[%add3A_386, %dma_start3A_450, %dma_start3A_451] : memref<4096x50x128xf32, #tpu.memory_space<hbm>> -> memref<4x50x128xf32, #tpu.memory_space<hbm>>
      tpu.enqueue_dma source(%arg8 : memref<4x50x128xf32, #tpu.memory_space<vmem>>) target(%dma_start3A_452 : memref<4x50x128xf32, #tpu.memory_space<hbm>>) target_semaphore(%arg16 : memref<!tpu.dma_semaphore, #tpu.memory_space<semaphore_mem>>)
      %lt3A_453 = arith.constant 7 : i32
      %lt3A_454 = arith.cmpi slt, %scan3A_230, %lt3A_453 : i32
      %convert_element_type3A_455 = arith.extui %lt3A_454 : i1 to i32
      %cond3A_456 = arith.constant 0 : i32
      %cond3A_457 = arith.cmpi ne, %convert_element_type3A_455, %cond3A_456 : i32
      scf.if %cond3A_457 {
        %dma_wait3A_534 = arith.constant 0 : i32
        %dma_wait3A_535 = arith.constant 0 : i32
        %dma_wait3A_536 = tpu.memref_slice %arg4[%add3A_386, %dma_wait3A_534, %dma_wait3A_535] : memref<4096x50x128xf32, #tpu.memory_space<hbm>> -> memref<4x50x128xf32, #tpu.memory_space<hbm>>
        %dma_wait3A_537 = arith.constant 0 : i32
        %dma_wait3A_538 = arith.constant 0 : i32
        %dma_wait3A_539 = tpu.memref_slice %arg4[%add3A_386, %dma_wait3A_537, %dma_wait3A_538] : memref<4096x50x128xf32, #tpu.memory_space<hbm>> -> memref<4x50x128xf32, #tpu.memory_space<hbm>>
        tpu.wait_dma2 semaphore(%arg16 : memref<!tpu.dma_semaphore, #tpu.memory_space<semaphore_mem>>) src(%arg8 : memref<4x50x128xf32, #tpu.memory_space<vmem>>) dst(%dma_wait3A_539 : memref<4x50x128xf32, #tpu.memory_space<hbm>>)
        %add3A_540 = arith.constant 4 : i32
        %add3A_541 = arith.addi %add3A_383, %add3A_540 : i32
        %mul3A_542 = arith.constant 4 : i32
        %mul3A_543 = arith.muli %add3A_541, %mul3A_542 : i32
        %add3A_544 = arith.constant 0 : i32
        %add3A_545 = arith.addi %mul3A_543, %add3A_544 : i32
        %dma_start3A_546 = arith.constant 0 : i32
        %dma_start3A_547 = arith.constant 0 : i32
        %dma_start3A_548 = arith.constant 0 : i32
        %dma_start3A_549 = tpu.memref_slice %arg8[%dma_start3A_546, %dma_start3A_547, %dma_start3A_548] : memref<4x50x128xf32, #tpu.memory_space<vmem>> -> memref<1x50x128xf32, #tpu.memory_space<vmem>>
        %dma_start3A_550 = tpu.memref_squeeze %dma_start3A_549 : memref<1x50x128xf32, #tpu.memory_space<vmem>> -> memref<50x128xf32, #tpu.memory_space<vmem>>
        %dma_start3A_551 = arith.constant 0 : i32
        %dma_start3A_552 = tpu.memref_slice %arg5[%add3A_545, %dma_start3A_551] : memref<128x50xi32, #tpu.memory_space<vmem>> -> memref<1x50xi32, #tpu.memory_space<vmem>>
        %dma_start3A_553 = tpu.memref_squeeze %dma_start3A_552 : memref<1x50xi32, #tpu.memory_space<vmem>> -> memref<50xi32, #tpu.memory_space<vmem>>
        %dma_start3A_554 = arith.constant 0 : i32
        %dma_start3A_555 = arith.constant 0 : i32
        %dma_start3A_556 = tpu.memref_slice %arg2[%dma_start3A_554, %dma_start3A_555] : memref<100000x128xf32, #tpu.memory_space<hbm>> -> memref<100000x128xf32, #tpu.memory_space<hbm>>
        tpu.enqueue_indirect_dma source(%dma_start3A_556 : memref<100000x128xf32, #tpu.memory_space<hbm>>) target(%dma_start3A_550 : memref<50x128xf32, #tpu.memory_space<vmem>>) offsets(%dma_start3A_553 : memref<50xi32, #tpu.memory_space<vmem>>) semaphore(%arg12 : memref<!tpu.dma_semaphore, #tpu.memory_space<semaphore_mem>>)
        %mul3A_557 = arith.constant 4 : i32
        %mul3A_558 = arith.muli %add3A_541, %mul3A_557 : i32
        %add3A_559 = arith.constant 1 : i32
        %add3A_560 = arith.addi %mul3A_558, %add3A_559 : i32
        %dma_start3A_561 = arith.constant 1 : i32
        %dma_start3A_562 = arith.constant 0 : i32
        %dma_start3A_563 = arith.constant 0 : i32
        %dma_start3A_564 = tpu.memref_slice %arg8[%dma_start3A_561, %dma_start3A_562, %dma_start3A_563] : memref<4x50x128xf32, #tpu.memory_space<vmem>> -> memref<1x50x128xf32, #tpu.memory_space<vmem>>
        %dma_start3A_565 = tpu.memref_squeeze %dma_start3A_564 : memref<1x50x128xf32, #tpu.memory_space<vmem>> -> memref<50x128xf32, #tpu.memory_space<vmem>>
        %dma_start3A_566 = arith.constant 0 : i32
        %dma_start3A_567 = tpu.memref_slice %arg5[%add3A_560, %dma_start3A_566] : memref<128x50xi32, #tpu.memory_space<vmem>> -> memref<1x50xi32, #tpu.memory_space<vmem>>
        %dma_start3A_568 = tpu.memref_squeeze %dma_start3A_567 : memref<1x50xi32, #tpu.memory_space<vmem>> -> memref<50xi32, #tpu.memory_space<vmem>>
        %dma_start3A_569 = arith.constant 0 : i32
        %dma_start3A_570 = arith.constant 0 : i32
        %dma_start3A_571 = tpu.memref_slice %arg2[%dma_start3A_569, %dma_start3A_570] : memref<100000x128xf32, #tpu.memory_space<hbm>> -> memref<100000x128xf32, #tpu.memory_space<hbm>>
        tpu.enqueue_indirect_dma source(%dma_start3A_571 : memref<100000x128xf32, #tpu.memory_space<hbm>>) target(%dma_start3A_565 : memref<50x128xf32, #tpu.memory_space<vmem>>) offsets(%dma_start3A_568 : memref<50xi32, #tpu.memory_space<vmem>>) semaphore(%arg12 : memref<!tpu.dma_semaphore, #tpu.memory_space<semaphore_mem>>)
        %mul3A_572 = arith.constant 4 : i32
        %mul3A_573 = arith.muli %add3A_541, %mul3A_572 : i32
        %add3A_574 = arith.constant 2 : i32
        %add3A_575 = arith.addi %mul3A_573, %add3A_574 : i32
        %dma_start3A_576 = arith.constant 2 : i32
        %dma_start3A_577 = arith.constant 0 : i32
        %dma_start3A_578 = arith.constant 0 : i32
        %dma_start3A_579 = tpu.memref_slice %arg8[%dma_start3A_576, %dma_start3A_577, %dma_start3A_578] : memref<4x50x128xf32, #tpu.memory_space<vmem>> -> memref<1x50x128xf32, #tpu.memory_space<vmem>>
        %dma_start3A_580 = tpu.memref_squeeze %dma_start3A_579 : memref<1x50x128xf32, #tpu.memory_space<vmem>> -> memref<50x128xf32, #tpu.memory_space<vmem>>
        %dma_start3A_581 = arith.constant 0 : i32
        %dma_start3A_582 = tpu.memref_slice %arg5[%add3A_575, %dma_start3A_581] : memref<128x50xi32, #tpu.memory_space<vmem>> -> memref<1x50xi32, #tpu.memory_space<vmem>>
        %dma_start3A_583 = tpu.memref_squeeze %dma_start3A_582 : memref<1x50xi32, #tpu.memory_space<vmem>> -> memref<50xi32, #tpu.memory_space<vmem>>
        %dma_start3A_584 = arith.constant 0 : i32
        %dma_start3A_585 = arith.constant 0 : i32
        %dma_start3A_586 = tpu.memref_slice %arg2[%dma_start3A_584, %dma_start3A_585] : memref<100000x128xf32, #tpu.memory_space<hbm>> -> memref<100000x128xf32, #tpu.memory_space<hbm>>
        tpu.enqueue_indirect_dma source(%dma_start3A_586 : memref<100000x128xf32, #tpu.memory_space<hbm>>) target(%dma_start3A_580 : memref<50x128xf32, #tpu.memory_space<vmem>>) offsets(%dma_start3A_583 : memref<50xi32, #tpu.memory_space<vmem>>) semaphore(%arg12 : memref<!tpu.dma_semaphore, #tpu.memory_space<semaphore_mem>>)
        %mul3A_587 = arith.constant 4 : i32
        %mul3A_588 = arith.muli %add3A_541, %mul3A_587 : i32
        %add3A_589 = arith.constant 3 : i32
        %add3A_590 = arith.addi %mul3A_588, %add3A_589 : i32
        %dma_start3A_591 = arith.constant 3 : i32
        %dma_start3A_592 = arith.constant 0 : i32
        %dma_start3A_593 = arith.constant 0 : i32
        %dma_start3A_594 = tpu.memref_slice %arg8[%dma_start3A_591, %dma_start3A_592, %dma_start3A_593] : memref<4x50x128xf32, #tpu.memory_space<vmem>> -> memref<1x50x128xf32, #tpu.memory_space<vmem>>
        %dma_start3A_595 = tpu.memref_squeeze %dma_start3A_594 : memref<1x50x128xf32, #tpu.memory_space<vmem>> -> memref<50x128xf32, #tpu.memory_space<vmem>>
        %dma_start3A_596 = arith.constant 0 : i32
        %dma_start3A_597 = tpu.memref_slice %arg5[%add3A_590, %dma_start3A_596] : memref<128x50xi32, #tpu.memory_space<vmem>> -> memref<1x50xi32, #tpu.memory_space<vmem>>
        %dma_start3A_598 = tpu.memref_squeeze %dma_start3A_597 : memref<1x50xi32, #tpu.memory_space<vmem>> -> memref<50xi32, #tpu.memory_space<vmem>>
        %dma_start3A_599 = arith.constant 0 : i32
        %dma_start3A_600 = arith.constant 0 : i32
        %dma_start3A_601 = tpu.memref_slice %arg2[%dma_start3A_599, %dma_start3A_600] : memref<100000x128xf32, #tpu.memory_space<hbm>> -> memref<100000x128xf32, #tpu.memory_space<hbm>>
        tpu.enqueue_indirect_dma source(%dma_start3A_601 : memref<100000x128xf32, #tpu.memory_space<hbm>>) target(%dma_start3A_595 : memref<50x128xf32, #tpu.memory_space<vmem>>) offsets(%dma_start3A_598 : memref<50xi32, #tpu.memory_space<vmem>>) semaphore(%arg12 : memref<!tpu.dma_semaphore, #tpu.memory_space<semaphore_mem>>)
      } else {
      }
      %add3A_458 = arith.constant 3 : i32
      %add3A_459 = arith.addi %mul3A_232, %add3A_458 : i32
      %mul3A_460 = arith.constant 4 : i32
      %mul3A_461 = arith.muli %add3A_459, %mul3A_460 : i32
      %add3A_462 = arith.addi %mul3A_2, %mul3A_461 : i32
      %mul3A_463 = arith.constant 4 : i32
      %mul3A_464 = arith.muli %add3A_459, %mul3A_463 : i32
      %add3A_465 = arith.constant 0 : i32
      %add3A_466 = arith.addi %mul3A_464, %add3A_465 : i32
      %dma_wait3A_467 = arith.constant 0 : i32
      %dma_wait3A_468 = arith.constant 0 : i32
      %dma_wait3A_469 = arith.constant 0 : i32
      %dma_wait3A_470 = tpu.memref_slice %arg9[%dma_wait3A_467, %dma_wait3A_468, %dma_wait3A_469] : memref<4x50x128xf32, #tpu.memory_space<vmem>> -> memref<1x50x128xf32, #tpu.memory_space<vmem>>
      %dma_wait3A_471 = tpu.memref_squeeze %dma_wait3A_470 : memref<1x50x128xf32, #tpu.memory_space<vmem>> -> memref<50x128xf32, #tpu.memory_space<vmem>>
      %dma_wait3A_472 = arith.constant 0 : i32
      %dma_wait3A_473 = tpu.memref_slice %arg5[%add3A_466, %dma_wait3A_472] : memref<128x50xi32, #tpu.memory_space<vmem>> -> memref<1x50xi32, #tpu.memory_space<vmem>>
      %dma_wait3A_474 = tpu.memref_squeeze %dma_wait3A_473 : memref<1x50xi32, #tpu.memory_space<vmem>> -> memref<50xi32, #tpu.memory_space<vmem>>
      %dma_wait3A_475 = arith.constant 0 : i32
      %dma_wait3A_476 = arith.constant 0 : i32
      %dma_wait3A_477 = tpu.memref_slice %arg2[%dma_wait3A_475, %dma_wait3A_476] : memref<100000x128xf32, #tpu.memory_space<hbm>> -> memref<100000x128xf32, #tpu.memory_space<hbm>>
      tpu.wait_indirect_dma semaphore(%arg13 : memref<!tpu.dma_semaphore, #tpu.memory_space<semaphore_mem>>) src(%dma_wait3A_477 : memref<100000x128xf32, #tpu.memory_space<hbm>>) dst(%dma_wait3A_471 : memref<50x128xf32, #tpu.memory_space<vmem>>)
      %mul3A_478 = arith.constant 4 : i32
      %mul3A_479 = arith.muli %add3A_459, %mul3A_478 : i32
      %add3A_480 = arith.constant 1 : i32
      %add3A_481 = arith.addi %mul3A_479, %add3A_480 : i32
      %dma_wait3A_482 = arith.constant 1 : i32
      %dma_wait3A_483 = arith.constant 0 : i32
      %dma_wait3A_484 = arith.constant 0 : i32
      %dma_wait3A_485 = tpu.memref_slice %arg9[%dma_wait3A_482, %dma_wait3A_483, %dma_wait3A_484] : memref<4x50x128xf32, #tpu.memory_space<vmem>> -> memref<1x50x128xf32, #tpu.memory_space<vmem>>
      %dma_wait3A_486 = tpu.memref_squeeze %dma_wait3A_485 : memref<1x50x128xf32, #tpu.memory_space<vmem>> -> memref<50x128xf32, #tpu.memory_space<vmem>>
      %dma_wait3A_487 = arith.constant 0 : i32
      %dma_wait3A_488 = tpu.memref_slice %arg5[%add3A_481, %dma_wait3A_487] : memref<128x50xi32, #tpu.memory_space<vmem>> -> memref<1x50xi32, #tpu.memory_space<vmem>>
      %dma_wait3A_489 = tpu.memref_squeeze %dma_wait3A_488 : memref<1x50xi32, #tpu.memory_space<vmem>> -> memref<50xi32, #tpu.memory_space<vmem>>
      %dma_wait3A_490 = arith.constant 0 : i32
      %dma_wait3A_491 = arith.constant 0 : i32
      %dma_wait3A_492 = tpu.memref_slice %arg2[%dma_wait3A_490, %dma_wait3A_491] : memref<100000x128xf32, #tpu.memory_space<hbm>> -> memref<100000x128xf32, #tpu.memory_space<hbm>>
      tpu.wait_indirect_dma semaphore(%arg13 : memref<!tpu.dma_semaphore, #tpu.memory_space<semaphore_mem>>) src(%dma_wait3A_492 : memref<100000x128xf32, #tpu.memory_space<hbm>>) dst(%dma_wait3A_486 : memref<50x128xf32, #tpu.memory_space<vmem>>)
      %mul3A_493 = arith.constant 4 : i32
      %mul3A_494 = arith.muli %add3A_459, %mul3A_493 : i32
      %add3A_495 = arith.constant 2 : i32
      %add3A_496 = arith.addi %mul3A_494, %add3A_495 : i32
      %dma_wait3A_497 = arith.constant 2 : i32
      %dma_wait3A_498 = arith.constant 0 : i32
      %dma_wait3A_499 = arith.constant 0 : i32
      %dma_wait3A_500 = tpu.memref_slice %arg9[%dma_wait3A_497, %dma_wait3A_498, %dma_wait3A_499] : memref<4x50x128xf32, #tpu.memory_space<vmem>> -> memref<1x50x128xf32, #tpu.memory_space<vmem>>
      %dma_wait3A_501 = tpu.memref_squeeze %dma_wait3A_500 : memref<1x50x128xf32, #tpu.memory_space<vmem>> -> memref<50x128xf32, #tpu.memory_space<vmem>>
      %dma_wait3A_502 = arith.constant 0 : i32
      %dma_wait3A_503 = tpu.memref_slice %arg5[%add3A_496, %dma_wait3A_502] : memref<128x50xi32, #tpu.memory_space<vmem>> -> memref<1x50xi32, #tpu.memory_space<vmem>>
      %dma_wait3A_504 = tpu.memref_squeeze %dma_wait3A_503 : memref<1x50xi32, #tpu.memory_space<vmem>> -> memref<50xi32, #tpu.memory_space<vmem>>
      %dma_wait3A_505 = arith.constant 0 : i32
      %dma_wait3A_506 = arith.constant 0 : i32
      %dma_wait3A_507 = tpu.memref_slice %arg2[%dma_wait3A_505, %dma_wait3A_506] : memref<100000x128xf32, #tpu.memory_space<hbm>> -> memref<100000x128xf32, #tpu.memory_space<hbm>>
      tpu.wait_indirect_dma semaphore(%arg13 : memref<!tpu.dma_semaphore, #tpu.memory_space<semaphore_mem>>) src(%dma_wait3A_507 : memref<100000x128xf32, #tpu.memory_space<hbm>>) dst(%dma_wait3A_501 : memref<50x128xf32, #tpu.memory_space<vmem>>)
      %mul3A_508 = arith.constant 4 : i32
      %mul3A_509 = arith.muli %add3A_459, %mul3A_508 : i32
      %add3A_510 = arith.constant 3 : i32
      %add3A_511 = arith.addi %mul3A_509, %add3A_510 : i32
      %dma_wait3A_512 = arith.constant 3 : i32
      %dma_wait3A_513 = arith.constant 0 : i32
      %dma_wait3A_514 = arith.constant 0 : i32
      %dma_wait3A_515 = tpu.memref_slice %arg9[%dma_wait3A_512, %dma_wait3A_513, %dma_wait3A_514] : memref<4x50x128xf32, #tpu.memory_space<vmem>> -> memref<1x50x128xf32, #tpu.memory_space<vmem>>
      %dma_wait3A_516 = tpu.memref_squeeze %dma_wait3A_515 : memref<1x50x128xf32, #tpu.memory_space<vmem>> -> memref<50x128xf32, #tpu.memory_space<vmem>>
      %dma_wait3A_517 = arith.constant 0 : i32
      %dma_wait3A_518 = tpu.memref_slice %arg5[%add3A_511, %dma_wait3A_517] : memref<128x50xi32, #tpu.memory_space<vmem>> -> memref<1x50xi32, #tpu.memory_space<vmem>>
      %dma_wait3A_519 = tpu.memref_squeeze %dma_wait3A_518 : memref<1x50xi32, #tpu.memory_space<vmem>> -> memref<50xi32, #tpu.memory_space<vmem>>
      %dma_wait3A_520 = arith.constant 0 : i32
      %dma_wait3A_521 = arith.constant 0 : i32
      %dma_wait3A_522 = tpu.memref_slice %arg2[%dma_wait3A_520, %dma_wait3A_521] : memref<100000x128xf32, #tpu.memory_space<hbm>> -> memref<100000x128xf32, #tpu.memory_space<hbm>>
      tpu.wait_indirect_dma semaphore(%arg13 : memref<!tpu.dma_semaphore, #tpu.memory_space<semaphore_mem>>) src(%dma_wait3A_522 : memref<100000x128xf32, #tpu.memory_space<hbm>>) dst(%dma_wait3A_516 : memref<50x128xf32, #tpu.memory_space<vmem>>)
      %dma_start3A_523 = arith.constant 0 : i32
      %dma_start3A_524 = arith.constant 0 : i32
      %dma_start3A_525 = tpu.memref_slice %arg4[%add3A_462, %dma_start3A_523, %dma_start3A_524] : memref<4096x50x128xf32, #tpu.memory_space<hbm>> -> memref<4x50x128xf32, #tpu.memory_space<hbm>>
      %dma_start3A_526 = arith.constant 0 : i32
      %dma_start3A_527 = arith.constant 0 : i32
      %dma_start3A_528 = tpu.memref_slice %arg4[%add3A_462, %dma_start3A_526, %dma_start3A_527] : memref<4096x50x128xf32, #tpu.memory_space<hbm>> -> memref<4x50x128xf32, #tpu.memory_space<hbm>>
      tpu.enqueue_dma source(%arg9 : memref<4x50x128xf32, #tpu.memory_space<vmem>>) target(%dma_start3A_528 : memref<4x50x128xf32, #tpu.memory_space<hbm>>) target_semaphore(%arg17 : memref<!tpu.dma_semaphore, #tpu.memory_space<semaphore_mem>>)
      %lt3A_529 = arith.constant 7 : i32
      %lt3A_530 = arith.cmpi slt, %scan3A_230, %lt3A_529 : i32
      %convert_element_type3A_531 = arith.extui %lt3A_530 : i1 to i32
      %cond3A_532 = arith.constant 0 : i32
      %cond3A_533 = arith.cmpi ne, %convert_element_type3A_531, %cond3A_532 : i32
      scf.if %cond3A_533 {
        %dma_wait3A_534 = arith.constant 0 : i32
        %dma_wait3A_535 = arith.constant 0 : i32
        %dma_wait3A_536 = tpu.memref_slice %arg4[%add3A_462, %dma_wait3A_534, %dma_wait3A_535] : memref<4096x50x128xf32, #tpu.memory_space<hbm>> -> memref<4x50x128xf32, #tpu.memory_space<hbm>>
        %dma_wait3A_537 = arith.constant 0 : i32
        %dma_wait3A_538 = arith.constant 0 : i32
        %dma_wait3A_539 = tpu.memref_slice %arg4[%add3A_462, %dma_wait3A_537, %dma_wait3A_538] : memref<4096x50x128xf32, #tpu.memory_space<hbm>> -> memref<4x50x128xf32, #tpu.memory_space<hbm>>
        tpu.wait_dma2 semaphore(%arg17 : memref<!tpu.dma_semaphore, #tpu.memory_space<semaphore_mem>>) src(%arg9 : memref<4x50x128xf32, #tpu.memory_space<vmem>>) dst(%dma_wait3A_539 : memref<4x50x128xf32, #tpu.memory_space<hbm>>)
        %add3A_540 = arith.constant 4 : i32
        %add3A_541 = arith.addi %add3A_459, %add3A_540 : i32
        %mul3A_542 = arith.constant 4 : i32
        %mul3A_543 = arith.muli %add3A_541, %mul3A_542 : i32
        %add3A_544 = arith.constant 0 : i32
        %add3A_545 = arith.addi %mul3A_543, %add3A_544 : i32
        %dma_start3A_546 = arith.constant 0 : i32
        %dma_start3A_547 = arith.constant 0 : i32
        %dma_start3A_548 = arith.constant 0 : i32
        %dma_start3A_549 = tpu.memref_slice %arg9[%dma_start3A_546, %dma_start3A_547, %dma_start3A_548] : memref<4x50x128xf32, #tpu.memory_space<vmem>> -> memref<1x50x128xf32, #tpu.memory_space<vmem>>
        %dma_start3A_550 = tpu.memref_squeeze %dma_start3A_549 : memref<1x50x128xf32, #tpu.memory_space<vmem>> -> memref<50x128xf32, #tpu.memory_space<vmem>>
        %dma_start3A_551 = arith.constant 0 : i32
        %dma_start3A_552 = tpu.memref_slice %arg5[%add3A_545, %dma_start3A_551] : memref<128x50xi32, #tpu.memory_space<vmem>> -> memref<1x50xi32, #tpu.memory_space<vmem>>
        %dma_start3A_553 = tpu.memref_squeeze %dma_start3A_552 : memref<1x50xi32, #tpu.memory_space<vmem>> -> memref<50xi32, #tpu.memory_space<vmem>>
        %dma_start3A_554 = arith.constant 0 : i32
        %dma_start3A_555 = arith.constant 0 : i32
        %dma_start3A_556 = tpu.memref_slice %arg2[%dma_start3A_554, %dma_start3A_555] : memref<100000x128xf32, #tpu.memory_space<hbm>> -> memref<100000x128xf32, #tpu.memory_space<hbm>>
        tpu.enqueue_indirect_dma source(%dma_start3A_556 : memref<100000x128xf32, #tpu.memory_space<hbm>>) target(%dma_start3A_550 : memref<50x128xf32, #tpu.memory_space<vmem>>) offsets(%dma_start3A_553 : memref<50xi32, #tpu.memory_space<vmem>>) semaphore(%arg13 : memref<!tpu.dma_semaphore, #tpu.memory_space<semaphore_mem>>)
        %mul3A_557 = arith.constant 4 : i32
        %mul3A_558 = arith.muli %add3A_541, %mul3A_557 : i32
        %add3A_559 = arith.constant 1 : i32
        %add3A_560 = arith.addi %mul3A_558, %add3A_559 : i32
        %dma_start3A_561 = arith.constant 1 : i32
        %dma_start3A_562 = arith.constant 0 : i32
        %dma_start3A_563 = arith.constant 0 : i32
        %dma_start3A_564 = tpu.memref_slice %arg9[%dma_start3A_561, %dma_start3A_562, %dma_start3A_563] : memref<4x50x128xf32, #tpu.memory_space<vmem>> -> memref<1x50x128xf32, #tpu.memory_space<vmem>>
        %dma_start3A_565 = tpu.memref_squeeze %dma_start3A_564 : memref<1x50x128xf32, #tpu.memory_space<vmem>> -> memref<50x128xf32, #tpu.memory_space<vmem>>
        %dma_start3A_566 = arith.constant 0 : i32
        %dma_start3A_567 = tpu.memref_slice %arg5[%add3A_560, %dma_start3A_566] : memref<128x50xi32, #tpu.memory_space<vmem>> -> memref<1x50xi32, #tpu.memory_space<vmem>>
        %dma_start3A_568 = tpu.memref_squeeze %dma_start3A_567 : memref<1x50xi32, #tpu.memory_space<vmem>> -> memref<50xi32, #tpu.memory_space<vmem>>
        %dma_start3A_569 = arith.constant 0 : i32
        %dma_start3A_570 = arith.constant 0 : i32
        %dma_start3A_571 = tpu.memref_slice %arg2[%dma_start3A_569, %dma_start3A_570] : memref<100000x128xf32, #tpu.memory_space<hbm>> -> memref<100000x128xf32, #tpu.memory_space<hbm>>
        tpu.enqueue_indirect_dma source(%dma_start3A_571 : memref<100000x128xf32, #tpu.memory_space<hbm>>) target(%dma_start3A_565 : memref<50x128xf32, #tpu.memory_space<vmem>>) offsets(%dma_start3A_568 : memref<50xi32, #tpu.memory_space<vmem>>) semaphore(%arg13 : memref<!tpu.dma_semaphore, #tpu.memory_space<semaphore_mem>>)
        %mul3A_572 = arith.constant 4 : i32
        %mul3A_573 = arith.muli %add3A_541, %mul3A_572 : i32
        %add3A_574 = arith.constant 2 : i32
        %add3A_575 = arith.addi %mul3A_573, %add3A_574 : i32
        %dma_start3A_576 = arith.constant 2 : i32
        %dma_start3A_577 = arith.constant 0 : i32
        %dma_start3A_578 = arith.constant 0 : i32
        %dma_start3A_579 = tpu.memref_slice %arg9[%dma_start3A_576, %dma_start3A_577, %dma_start3A_578] : memref<4x50x128xf32, #tpu.memory_space<vmem>> -> memref<1x50x128xf32, #tpu.memory_space<vmem>>
        %dma_start3A_580 = tpu.memref_squeeze %dma_start3A_579 : memref<1x50x128xf32, #tpu.memory_space<vmem>> -> memref<50x128xf32, #tpu.memory_space<vmem>>
        %dma_start3A_581 = arith.constant 0 : i32
        %dma_start3A_582 = tpu.memref_slice %arg5[%add3A_575, %dma_start3A_581] : memref<128x50xi32, #tpu.memory_space<vmem>> -> memref<1x50xi32, #tpu.memory_space<vmem>>
        %dma_start3A_583 = tpu.memref_squeeze %dma_start3A_582 : memref<1x50xi32, #tpu.memory_space<vmem>> -> memref<50xi32, #tpu.memory_space<vmem>>
        %dma_start3A_584 = arith.constant 0 : i32
        %dma_start3A_585 = arith.constant 0 : i32
        %dma_start3A_586 = tpu.memref_slice %arg2[%dma_start3A_584, %dma_start3A_585] : memref<100000x128xf32, #tpu.memory_space<hbm>> -> memref<100000x128xf32, #tpu.memory_space<hbm>>
        tpu.enqueue_indirect_dma source(%dma_start3A_586 : memref<100000x128xf32, #tpu.memory_space<hbm>>) target(%dma_start3A_580 : memref<50x128xf32, #tpu.memory_space<vmem>>) offsets(%dma_start3A_583 : memref<50xi32, #tpu.memory_space<vmem>>) semaphore(%arg13 : memref<!tpu.dma_semaphore, #tpu.memory_space<semaphore_mem>>)
        %mul3A_587 = arith.constant 4 : i32
        %mul3A_588 = arith.muli %add3A_541, %mul3A_587 : i32
        %add3A_589 = arith.constant 3 : i32
        %add3A_590 = arith.addi %mul3A_588, %add3A_589 : i32
        %dma_start3A_591 = arith.constant 3 : i32
        %dma_start3A_592 = arith.constant 0 : i32
        %dma_start3A_593 = arith.constant 0 : i32
        %dma_start3A_594 = tpu.memref_slice %arg9[%dma_start3A_591, %dma_start3A_592, %dma_start3A_593] : memref<4x50x128xf32, #tpu.memory_space<vmem>> -> memref<1x50x128xf32, #tpu.memory_space<vmem>>
        %dma_start3A_595 = tpu.memref_squeeze %dma_start3A_594 : memref<1x50x128xf32, #tpu.memory_space<vmem>> -> memref<50x128xf32, #tpu.memory_space<vmem>>
        %dma_start3A_596 = arith.constant 0 : i32
        %dma_start3A_597 = tpu.memref_slice %arg5[%add3A_590, %dma_start3A_596] : memref<128x50xi32, #tpu.memory_space<vmem>> -> memref<1x50xi32, #tpu.memory_space<vmem>>
        %dma_start3A_598 = tpu.memref_squeeze %dma_start3A_597 : memref<1x50xi32, #tpu.memory_space<vmem>> -> memref<50xi32, #tpu.memory_space<vmem>>
        %dma_start3A_599 = arith.constant 0 : i32
        %dma_start3A_600 = arith.constant 0 : i32
        %dma_start3A_601 = tpu.memref_slice %arg2[%dma_start3A_599, %dma_start3A_600] : memref<100000x128xf32, #tpu.memory_space<hbm>> -> memref<100000x128xf32, #tpu.memory_space<hbm>>
        tpu.enqueue_indirect_dma source(%dma_start3A_601 : memref<100000x128xf32, #tpu.memory_space<hbm>>) target(%dma_start3A_595 : memref<50x128xf32, #tpu.memory_space<vmem>>) offsets(%dma_start3A_598 : memref<50xi32, #tpu.memory_space<vmem>>) semaphore(%arg13 : memref<!tpu.dma_semaphore, #tpu.memory_space<semaphore_mem>>)
      } else {
      }
    }
    %scan3A_198 = arith.constant 8 : i32
    %add3A_199 = arith.constant 112 : i32
    %add3A_200 = arith.addi %mul3A_2, %add3A_199 : i32
    %dma_wait3A = arith.constant 0 : i32
    %dma_wait3A_201 = arith.constant 0 : i32
    %dma_wait3A_202 = tpu.memref_slice %arg4[%add3A_200, %dma_wait3A, %dma_wait3A_201] : memref<4096x50x128xf32, #tpu.memory_space<hbm>> -> memref<4x50x128xf32, #tpu.memory_space<hbm>>
    %dma_wait3A_203 = arith.constant 0 : i32
    %dma_wait3A_204 = arith.constant 0 : i32
    %dma_wait3A_205 = tpu.memref_slice %arg4[%add3A_200, %dma_wait3A_203, %dma_wait3A_204] : memref<4096x50x128xf32, #tpu.memory_space<hbm>> -> memref<4x50x128xf32, #tpu.memory_space<hbm>>
    tpu.wait_dma2 semaphore(%arg14 : memref<!tpu.dma_semaphore, #tpu.memory_space<semaphore_mem>>) src(%arg6 : memref<4x50x128xf32, #tpu.memory_space<vmem>>) dst(%dma_wait3A_205 : memref<4x50x128xf32, #tpu.memory_space<hbm>>)
    %add3A_206 = arith.constant 116 : i32
    %add3A_207 = arith.addi %mul3A_2, %add3A_206 : i32
    %dma_wait3A_208 = arith.constant 0 : i32
    %dma_wait3A_209 = arith.constant 0 : i32
    %dma_wait3A_210 = tpu.memref_slice %arg4[%add3A_207, %dma_wait3A_208, %dma_wait3A_209] : memref<4096x50x128xf32, #tpu.memory_space<hbm>> -> memref<4x50x128xf32, #tpu.memory_space<hbm>>
    %dma_wait3A_211 = arith.constant 0 : i32
    %dma_wait3A_212 = arith.constant 0 : i32
    %dma_wait3A_213 = tpu.memref_slice %arg4[%add3A_207, %dma_wait3A_211, %dma_wait3A_212] : memref<4096x50x128xf32, #tpu.memory_space<hbm>> -> memref<4x50x128xf32, #tpu.memory_space<hbm>>
    tpu.wait_dma2 semaphore(%arg15 : memref<!tpu.dma_semaphore, #tpu.memory_space<semaphore_mem>>) src(%arg7 : memref<4x50x128xf32, #tpu.memory_space<vmem>>) dst(%dma_wait3A_213 : memref<4x50x128xf32, #tpu.memory_space<hbm>>)
    %add3A_214 = arith.constant 120 : i32
    %add3A_215 = arith.addi %mul3A_2, %add3A_214 : i32
    %dma_wait3A_216 = arith.constant 0 : i32
    %dma_wait3A_217 = arith.constant 0 : i32
    %dma_wait3A_218 = tpu.memref_slice %arg4[%add3A_215, %dma_wait3A_216, %dma_wait3A_217] : memref<4096x50x128xf32, #tpu.memory_space<hbm>> -> memref<4x50x128xf32, #tpu.memory_space<hbm>>
    %dma_wait3A_219 = arith.constant 0 : i32
    %dma_wait3A_220 = arith.constant 0 : i32
    %dma_wait3A_221 = tpu.memref_slice %arg4[%add3A_215, %dma_wait3A_219, %dma_wait3A_220] : memref<4096x50x128xf32, #tpu.memory_space<hbm>> -> memref<4x50x128xf32, #tpu.memory_space<hbm>>
    tpu.wait_dma2 semaphore(%arg16 : memref<!tpu.dma_semaphore, #tpu.memory_space<semaphore_mem>>) src(%arg8 : memref<4x50x128xf32, #tpu.memory_space<vmem>>) dst(%dma_wait3A_221 : memref<4x50x128xf32, #tpu.memory_space<hbm>>)
    %add3A_222 = arith.constant 124 : i32
    %add3A_223 = arith.addi %mul3A_2, %add3A_222 : i32
    %dma_wait3A_224 = arith.constant 0 : i32
    %dma_wait3A_225 = arith.constant 0 : i32
    %dma_wait3A_226 = tpu.memref_slice %arg4[%add3A_223, %dma_wait3A_224, %dma_wait3A_225] : memref<4096x50x128xf32, #tpu.memory_space<hbm>> -> memref<4x50x128xf32, #tpu.memory_space<hbm>>
    %dma_wait3A_227 = arith.constant 0 : i32
    %dma_wait3A_228 = arith.constant 0 : i32
    %dma_wait3A_229 = tpu.memref_slice %arg4[%add3A_223, %dma_wait3A_227, %dma_wait3A_228] : memref<4096x50x128xf32, #tpu.memory_space<hbm>> -> memref<4x50x128xf32, #tpu.memory_space<hbm>>
    tpu.wait_dma2 semaphore(%arg17 : memref<!tpu.dma_semaphore, #tpu.memory_space<semaphore_mem>>) src(%arg9 : memref<4x50x128xf32, #tpu.memory_space<vmem>>) dst(%dma_wait3A_229 : memref<4x50x128xf32, #tpu.memory_space<hbm>>)
    return
  }
}

</mosaic_0001>

<sc_bundles>
// kernel: _gather_rows.3.cloned.1.call-start
scs
__scs_entry_jumppad:
0x0: {  	(pc) =	sbr.rel $0x88, $3  }
0x1: {  	(tag) =	ssettag $0x0;
	lr =	simm.s32 $0x1  }
0x2: {  	[smem:$0x3F9F] =	sst lr;
	_ =	strace $0xD0000000  }
0x3: {  	_ = 	snop  }
0x4: {  	_ = 	snop  }
0x5: {  	_ = 	snop  }
0x6: {  	_ = 	snop  }
0x7: {  	_ = 	snop  }
__scs_overlays_trampoline_lowered:
0x8: {  	[smem:$0x3FAE] =	sst s0  }
0x9: {  	[smem:$0x3FAF] =	sst s1  }
0xa: {  	[smem:$0x3FB0] =	sst s2  }
0xb: {  	[smem:$0x3FB1] =	sst s3  }
0xc: {  	[smem:$0x3FB2] =	sst s4  }
0xd: {  	[smem:$0x3FB3] =	sst s5  }
0xe: {  	[smem:$0x3FB4] =	sst s6  }
0xf: {  	[smem:$0x3FB5] =	sst s7  }
0x10: {  	[smem:$0x3FB6] =	sst s8  }
0x11: {  	[smem:$0x3FB7] =	sst s9;
	s0 =	simm.s32 @!p0 $0x0  }
0x12: {  	s1 =	sld [smem:$0x3F9D];
	s0 =	simm.s32 @p0 $0x1  }
0x13: {  	[smem:$0x3FB8] =	sst s0;
	s0 =	simm.s32 @!p1 $0x0  }
0x14: {  	s2 =	sld [smem:$0x3F9C];
	s0 =	simm.s32 @p1 $0x1  }
0x15: {  	[smem:$0x3FB9] =	sst s0;
	s0 =	simm.s32 @!p2 $0x0  }
0x16: {  	s3 =	sld [smem:$0x3FDB];
	s0 =	simm.s32 @p2 $0x1  }
0x17: {  	s4 =	simm.s32 $0x1BF5;
	[smem:$0x3FBB] =	sst s0  }
0x18: {  	s0 =	sld [smem:$0x3F9E];
	_ =	swait.ge [sflag:s4], $0x0  }
0x19: {  	s7 =	sld [smem:$0x3F9F]  }
0x1a: {  	s8 =	sadd.s32 $0xFFFFE003, lr  }
0x1b: {  	s9 =	sadd.s32 $0xFFFFFEF7, lr;
	s5 =	simm.s32 $0xFFFFFFFF;
	p2 =	slt.u32 s8, $0xFFFFF086  }
0x1c: {  	p1 =	slt.u32 s9, $0xF7A;
	s5 =	simm.s32 @!p2 $0x0  }
0x1d: {  	s5 =	simm.s32 @p1 $0x1;
	p0 =	seq.s32 s7, s2  }
0x1e: {  	s7 =	smul.u32 @!p0 $0xF7A, s2;
	p2 =	seq.s32 @!p0 s5, $0x0  }
0x1f: {  	s9 =	smul.u32 $0xF7A, s1;
	s8 =	simm.s32 @!p0 $0x1BF5;
	p2 =	por !p2, p0  }
0x20: {  	[sflag:s8] =	ssyncset.s32 @!p0 $0xFFFFF086;
	s6 =	sadd.s32 @!p0 s3, s7;
	s7 =	simm.s32 @!p0 $0x108  }
0x21: {  	s3 =	sadd.s32 s3, s9;
	s6 =	sadd.s32 @!p0 $0x88, s6;
	s7 =	simm.s32 @p2 $0x1082  }
0x22: {  	[simem:s7], [sflag:s8] =	dma.local @!p0 [hbm:s6], $0xF7A  }
0x23: {  	s9 =	sor.u32 $0xD0000000, s2;
	s6 =	simm.s32 $0x108;
	_ =	swait.ge @!p0 [sflag:s8], $0x0  }
0x24: {  	s3 =	sadd.s32 $0x88, s3;
	s6 =	simm.s32 @!p1 $0x1082;
	[sflag:s4] =	ssyncset.s32 $0xFFFFF086  }
0x25: {  	[simem:s6], [sflag:s4] =	dma.local [hbm:s3], $0xF7A  }
0x26: {  	[smem:$0x3F9F] =	sst s1;
	(tag) =	ssettag s2;
	_ =	strace s9  }
0x27: {  	s1 =	sld [smem:$0x3FAF]  }
0x28: {  	s2 =	sld [smem:$0x3FB0]  }
0x29: {  	s4 =	sld [smem:$0x3FB2]  }
0x2a: {  	p0 =	seq.s32 s5, $0x0;
	s5 =	sld [smem:$0x3FB3]  }
0x2b: {  	s6 =	sld [smem:$0x3FB4]  }
0x2c: {  	s7 =	sld [smem:$0x3FB5]  }
0x2d: {  	s3 =	simm.s32 $0x108;
	s8 =	sld [smem:$0x3FB6]  }
0x2e: {  	s3 =	simm.s32 @!p0 $0x1082;
	s9 =	sld [smem:$0x3FB7]  }
0x2f: {  	lr =	sadd.s32 s0, s3;
	s0 =	sld [smem:$0x3FAE]  }
0x30: {  	s3 =	sld [smem:$0x3FB1]  }
0x31: {  	[smem:$0x3FBA] =	sst s10  }
0x32: {  	s10 =	sld [smem:$0x3FB8];
	_ =	sdelay $0x3  }
0x33: {  	p0 =	seq.s32 s10, $0x1;
	s10 =	sld [smem:$0x3FBA];
	_ =	sdelay $0x3  }
0x34: {  	[smem:$0x3FBA] =	sst s10  }
0x35: {  	s10 =	sld [smem:$0x3FB9];
	_ =	sdelay $0x3  }
0x36: {  	p1 =	seq.s32 s10, $0x1;
	s10 =	sld [smem:$0x3FBA];
	_ =	sdelay $0x3  }
0x37: {  	[smem:$0x3FBA] =	sst s10  }
0x38: {  	s10 =	sld [smem:$0x3FBB]  }
0x39: {  	_ = 	snop;
	(pc) =	sbr.ind lr, $3  }
0x3a: {  	_ = 	snop  }
0x3b: {  	_ = 	snop  }
0x3c: {  	p2 =	seq.s32 s10, $0x1;
	s10 =	sld [smem:$0x3FBA]  }
0x3d: {  	_ =	shalt  }
0x3e: {  	_ =	shalt  }
0x3f: {  	_ =	shalt  }
0x40: {  	_ =	shalt  }
0x41: {  	_ =	shalt  }
0x42: {  	_ =	shalt  }
0x43: {  	_ =	shalt  }
0x44: {  	_ =	shalt  }
0x45: {  	_ =	shalt  }
0x46: {  	_ =	shalt  }
0x47: {  	_ =	shalt  }
0x48: {  	_ =	shalt  }
0x49: {  	_ =	shalt  }
0x4a: {  	_ =	shalt  }
0x4b: {  	_ =	shalt  }
0x4c: {  	_ =	shalt  }
0x4d: {  	_ =	shalt  }
0x4e: {  	_ =	shalt  }
0x4f: {  	_ =	shalt  }
0x50: {  	_ =	shalt  }
0x51: {  	_ =	shalt  }
0x52: {  	_ =	shalt  }
0x53: {  	_ =	shalt  }
0x54: {  	_ =	shalt  }
0x55: {  	_ =	shalt  }
0x56: {  	_ =	shalt  }
0x57: {  	_ =	shalt  }
0x58: {  	_ =	shalt  }
0x59: {  	_ =	shalt  }
0x5a: {  	_ =	shalt  }
0x5b: {  	_ =	shalt  }
0x5c: {  	_ =	shalt  }
0x5d: {  	_ =	shalt  }
0x5e: {  	_ =	shalt  }
0x5f: {  	_ =	shalt  }
0x60: {  	_ =	shalt  }
0x61: {  	_ =	shalt  }
0x62: {  	_ =	shalt  }
0x63: {  	_ =	shalt  }
0x64: {  	_ =	shalt  }
0x65: {  	_ =	shalt  }
0x66: {  	_ =	shalt  }
0x67: {  	_ =	shalt  }
0x68: {  	_ =	shalt  }
0x69: {  	_ =	shalt  }
0x6a: {  	_ =	shalt  }
0x6b: {  	_ =	shalt  }
0x6c: {  	_ =	shalt  }
0x6d: {  	_ =	shalt  }
0x6e: {  	_ =	shalt  }
0x6f: {  	_ =	shalt  }
0x70: {  	_ =	shalt  }
0x71: {  	_ =	shalt  }
0x72: {  	_ =	shalt  }
0x73: {  	_ =	shalt  }
0x74: {  	_ =	shalt  }
0x75: {  	_ =	shalt  }
0x76: {  	_ =	shalt  }
0x77: {  	_ =	shalt  }
0x78: {  	_ =	shalt  }
0x79: {  	_ =	shalt  }
0x7a: {  	_ =	shalt  }
0x7b: {  	_ =	shalt  }
0x7c: {  	_ =	shalt  }
0x7d: {  	_ =	shalt  }
0x7e: {  	_ =	shalt  }
0x7f: {  	_ =	shalt  }
0x80: {  	_ =	shalt  }
0x81: {  	_ =	shalt  }
0x82: {  	_ =	shalt  }
0x83: {  	_ =	shalt  }
0x84: {  	_ =	shalt  }
0x85: {  	_ =	shalt  }
0x86: {  	_ =	shalt  }
0x87: {  	_ =	shalt  }
.Lfunc_end0:
.L_simem_size_0:
called_computation_lowered:
.L_overlay_start_0:
0x88: {  	s2 =	sld [smem:$0x3FD9]  }
0x89: {  	s3 =	sld [smem:$0x3FFE];
	_ =	sdelay $0x1  }
0x8a: {  	s1 =	srdreg.scid  }
0x8b: {  	s0 =	sand.u32 $0x1, s1  }
0x8c: {  	s17 =	sshll.u32 s0, $0xA;
	s2 =	sadd.s32 s3, s2  }
0x8d: {  	s2 =	sadd.s32 s2, s17  }
0x8e: {  	[smem:$0x3FC6] =	sst s2  }
0x8f: {  	_ = 	snop  }
0x90: {  	s2 =	sld [smem:$0x3FC9]  }
0x91: {  	s18 =	sld [smem:$0x3FD0];
	(tm) =	ssettm $0x1  }
0x92: {  	s4 =	sld [smem:$0x3FFB];
	_ =	sdelay $0x3  }
0x93: {  	_ =	strace s4  }
0x94: {  	s4 =	sld [smem:$0x3FFC];
	_ =	sdelay $0x3  }
0x95: {  	_ =	strace s4  }
0x96: {  	s4 =	sld [smem:$0x3FFD];
	_ =	sdelay $0x3  }
0x97: {  	_ =	strace s4  }
0x98: {  	_ =	strace $0x8FFFFFFF  }
0x99: {  	s19 =	sld [smem:$0x3FDB];
	_ =	sdelay $0x1  }
0x9a: {  	s5 =	simm.s32 $_scs_section_size  }
0x9b: {  	s6 =	simm.s32 $_size__tile_overlayer_lowered;
	s7 =	simm.s32 $_tile_overlayer_lowered  }
0x9c: {  	s22 =	simm.s32 $0x1BFF;
	s21 =	sshll.u32 s7, $0x1;
	s4 =	sadd.s32 s5, s19  }
0x9d: {  	s8 =	simm.s32 $0x0;
	s20 =	sshll.u32 s6, $0x1;
	s6 =	sadd.s32 s21, s4  }
0x9e: {  	[timem:s8], [sflag:s22] =	dma.local [hbm:s6], s20  }
0x9f: {  	_ =	swait.ge [sflag:s22], s20  }
0xa0: {  	s5 =	ssub.s32 $0x0, s20;
	[sflag:s22] =	ssyncset.done $0x0  }
0xa1: {  	[sflag:s22] =	ssyncadd.s32 s5;
	_ =	sdelay $0x1  }
0xa2: {  	s23 =	simm.s32 $0x1B8B  }
0xa3: {  	_ =	swait.ge [sflag:s23], $0x1  }
0xa4: {  	[sflag:s23] =	ssyncset.done $0x0  }
0xa5: {  	s25 =	simm.s32 $0x1B8E;
	s24 =	sld [smem:$0x3FFE];
	[sflag:s23] =	ssyncadd.s32 $0xFFFFFFFF  }
0xa6: {  	s26 =	simm.s32 $execute0_lowered;
	[smem:$0x3FD2] =	sst s25  }
0xa7: {  	s6 =	sshll.u32 s26, $0x1;
	_ =	strace $0x80000046;
	[dreg:$0x1] =	wrdreg $0xFFFFFFFF  }
0xa8: {  	s28 =	simm.s32 $_size_execute0_lowered;
	s4 =	sadd.s32 s4, s6;
	[dreg:$0x0] =	wrdreg $0x0  }
0xa9: {  	s6 =	sshll.u32 s28, $0x1;
	[dreg:$0x2] =	wrdreg s4  }
0xaa: {  	[dreg:$0x3] =	wrdreg s6  }
0xab: {  	[dreg:$0x4] =	wrdreg $0xC0  }
0xac: {  	_ =	task [dreg:s8], $0x5FFFF  }
0xad: {  	[dreg:$0x1] =	wrdreg $0xFFFFFFFF  }
0xae: {  	[dreg:$0x0] =	wrdreg $0x60  }
0xaf: {  	[dreg:$0x2] =	wrdreg s2  }
0xb0: {  	[dreg:$0x3] =	wrdreg s18  }
0xb1: {  	[dreg:$0x4] =	wrdreg s24  }
0xb2: {  	[dreg:$0x5] =	wrdreg $0x9  }
0xb3: {  	_ =	task.clear_ibuf [dreg:s8], $0x6FFFF;
	_ =	strace $0x90000046  }
0xb4: {  	s29 =	simm.s32 $0x9;
	_ =	strace $0x80000048  }
0xb5: {  	_ =	swait.ge [sflag:s29], $0x1  }
0xb6: {  	[sflag:s29] =	ssyncadd.s32 $0xFFFFFFFF  }
0xb7: {  	_ =	strace $0x90000048  }
0xb8: {  	_ =	sfence  }
0xb9: {  	s30 =	sld [smem:$0x0];
	_ =	sdelay $0x2  }
0xba: {  	s31 =	sshll.u32 s1, $0xD;
	s1 =	sshrl.u32 s1, $0x2  }
0xbb: {  	s3 =	sand.u32 $0x4000, s31;
	s1 =	sadd.s32 s1, s30  }
0xbc: {  	s0 =	sor.u32 s3, s0;
	s1 =	sshll.u32 s1, $0x11  }
0xbd: {  	s0 =	sor.u32 s1, s0  }
0xbe: {  	s0 =	sadd.s32 $0x8F2B, s0  }
0xbf: {  	[sflag:s0] =	ssyncadd.remote.s32 $0x1  }
0xc0: {  	_ =	sfence.sel $0xFFFF  }
0xc1: {  	[dreg:$0x0] =	wrdreg $0xFFFFFFFF;
	(pc) =	sbr.abs _section_cstart, $3  }
0xc2: {  	[dreg:$0x1] =	wrdreg $0xFFFFFFFF  }
0xc3: {  	_ =	task.clear_ibuf [dreg:s8], $0x2FFFF;
	_ =	strace $0x9FFFFFFF  }
0xc4: {  	(tm) =	ssettm $0x7FFFFFFF  }
0xc5: {  	_ =	shalt  }
tec
execute0_lowered:
.L_overlay_start_1:
0x0: {  	(tag) =	ssettag $0x1  }
0x1: {  	s1 =	rddreg [dreg:$0x0]  }
0x2: {  	s0 =	rddreg [dreg:$0x1]  }
0x3: {  	s2 =	rddreg [dreg:$0x2];
	s3 =	simm.s32 $0x0  }
0x4: {  	s8 =	stileid.u32;
	s5 =	srdreg.scid;
	s9 =	simm.s32 $0x4000  }
0x5: {  	s11 =	simm.s32 $0x5C00;
	s13 =	simm.s32 $0x7800;
	s15 =	simm.s32 $0x9400  }
0x6: {  	s17 =	simm.s32 $0xB000;
	s19 =	simm.s32 $0xCC00;
	s21 =	simm.s32 $0xE800  }
0x7: {  	s23 =	simm.s32 $0x10400;
	s28 =	simm.s32 $0x13C00;
	s30 =	simm.s32 $0x15800  }
0x8: {  	s10 =	simm.s32 $0x19000;
	s14 =	simm.s32 $0x1AC00;
	s18 =	simm.s32 $0x1C800  }
0x9: {  	s22 =	simm.s32 $0x1E400;
	s29 =	simm.s32 $0x3;
	s31 =	simm.s32 $0x4  }
0xa: {  	s20 =	simm.s32 $0x8;
	[smem:$0x7FF] =	sst s3;
	s4 =	smul.u32 $0x38000, s8  }
0xb: {  	s5 =	sand.u32 $0x1, s5;
	s8 =	sshll.u32 s8, $0xC;
	_ =	strace $0x80000047  }
0xc: {  	s24 =	ssub.s32 $0x2, s5;
	s6 =	smul.u32 $0x1C000, s5;
	s5 =	sshll.u32 s5, $0xB  }
0xd: {  	s2 =	sadd.s32 s4, s2;
	s7 =	sshrl.u32 s24, $0x1;
	s5 =	sor.u32 s5, s8  }
.Ltmp0:
0xe: {  	s8 =	simm.s32 $0x32;
	s4 =	ssub.s32 s24, s7;
	(pc) =	sbr.rel .LBB2_1-.Ltmp0, $4  }
0xf: {  	s2 =	sadd.s32 s6, s2;
	s0 =	sadd.s32 s0, s5;
	s24 =	simm.s32 $0x1  }
0x10: {  	[dreg:$0x4] =	wrdreg s0;
	s25 =	smax.u32 s4, $0x1;
	s26 =	sadd.s32 $0x400, s2  }
0x11: {  	s0 =	simm.s32 $0x17400;
	s4 =	simm.s32 $0x0;
	[dreg:$0x5] =	wrdreg s25  }
0x12: {  	[dreg:$0x6] =	wrdreg s26;
	s25 =	simm.s32 $0x12000;
	s26 =	simm.s32 $0x2  }
.LBB2_4:
0x13: {  	s2 =	simm.s32 $0x5  }
0x14: {  	_ =	swait.ge [sflag:s2], $0x6400  }
0x15: {  	[sflag:s2] =	ssyncset.done $0x0  }
0x16: {  	s7 =	simm.s32 $0x6;
	[sflag:s2] =	ssyncadd.s32 $0xFFFF9C00  }
0x17: {  	_ =	swait.ge [sflag:s7], $0x6400  }
0x18: {  	[sflag:s7] =	ssyncset.done $0x0  }
0x19: {  	s12 =	simm.s32 $0x7;
	[sflag:s7] =	ssyncadd.s32 $0xFFFF9C00  }
0x1a: {  	_ =	swait.ge [sflag:s12], $0x6400  }
0x1b: {  	[sflag:s12] =	ssyncset.done $0x0  }
0x1c: {  	[sflag:s12] =	ssyncadd.s32 $0xFFFF9C00  }
0x1d: {  	_ =	swait.ge [sflag:s20], $0x6400  }
0x1e: {  	s4 =	sadd.s32 $0x1, s4;
	s16 =	rddreg [dreg:$0x5]  }
0x1f: {  	p0 =	sne.s32 s4, s16  }
.Ltmp1:
0x20: {  	_ = 	snop;
	(pc) =	sbr.rel @!p0 .LBB2_5-.Ltmp1, $3  }
0x21: {  	_ =	sdelay $0x1  }
0x22: {  	[sflag:s20] =	ssyncset.done $0x0  }
0x23: {  	[sflag:s20] =	ssyncadd.s32 $0xFFFF9C00  }
.LBB2_1:
0x24: {  	s2 =	rddreg [dreg:$0x4];
	s16 =	simm.s32 $0x9  }
0x25: {  	[tilespmem:s3], [sflag:$0x9] =	stream.linear.gather [hbm4b:s2+s3], $0x4000, $0x38;
	v63 =	vld [tilespmem:$0x0]  }
0x26: {  	_ =	swait.ge [sflag:s16], $0x4000  }
0x27: {  	[sflag:s16] =	ssyncset.done $0x0  }
0x28: {  	[sflag:s16] =	ssyncadd.s32 $0xFFFFC000  }
0x29: {  	[tilespmem:s9], [sflag:$0x1] =	stream.indirect.gather [hbm4b:s1+s8], $0x80, s3, s8, $0xb8;
	v63 =	vld [tilespmem:$0x0]  }
0x2a: {  	s5 =	simm.s32 $0x80  }
0x2b: {  	[tilespmem:s11], [sflag:$0x1] =	stream.indirect.gather [hbm4b:s1+s8], $0x80, s5, s8, $0xb8;
	v63 =	vld [tilespmem:$0x0]  }
0x2c: {  	s6 =	simm.s32 $0x100  }
0x2d: {  	[tilespmem:s13], [sflag:$0x1] =	stream.indirect.gather [hbm4b:s1+s8], $0x80, s6, s8, $0xb8;
	v63 =	vld [tilespmem:$0x0]  }
0x2e: {  	s7 =	simm.s32 $0x180  }
0x2f: {  	[tilespmem:s15], [sflag:$0x1] =	stream.indirect.gather [hbm4b:s1+s8], $0x80, s7, s8, $0xb8;
	v63 =	vld [tilespmem:$0x0]  }
0x30: {  	s12 =	simm.s32 $0x200  }
0x31: {  	[tilespmem:s17], [sflag:$0x2] =	stream.indirect.gather [hbm4b:s1+s8], $0x80, s12, s8, $0xb8;
	v63 =	vld [tilespmem:$0x0]  }
0x32: {  	s16 =	simm.s32 $0x280  }
0x33: {  	[tilespmem:s19], [sflag:$0x2] =	stream.indirect.gather [hbm4b:s1+s8], $0x80, s16, s8, $0xb8;
	v63 =	vld [tilespmem:$0x0]  }
0x34: {  	s5 =	simm.s32 $0x300  }
0x35: {  	[tilespmem:s21], [sflag:$0x2] =	stream.indirect.gather [hbm4b:s1+s8], $0x80, s5, s8, $0xb8;
	v63 =	vld [tilespmem:$0x0]  }
0x36: {  	s6 =	simm.s32 $0x380  }
0x37: {  	[tilespmem:s23], [sflag:$0x2] =	stream.indirect.gather [hbm4b:s1+s8], $0x80, s6, s8, $0xb8;
	v63 =	vld [tilespmem:$0x0]  }
0x38: {  	s7 =	simm.s32 $0x400  }
0x39: {  	[tilespmem:s25], [sflag:$0x3] =	stream.indirect.gather [hbm4b:s1+s8], $0x80, s7, s8, $0xb8;
	v63 =	vld [tilespmem:$0x0]  }
0x3a: {  	s12 =	simm.s32 $0x480  }
0x3b: {  	[tilespmem:s28], [sflag:$0x3] =	stream.indirect.gather [hbm4b:s1+s8], $0x80, s12, s8, $0xb8;
	v63 =	vld [tilespmem:$0x0]  }
0x3c: {  	s16 =	simm.s32 $0x500  }
0x3d: {  	[tilespmem:s30], [sflag:$0x3] =	stream.indirect.gather [hbm4b:s1+s8], $0x80, s16, s8, $0xb8;
	v63 =	vld [tilespmem:$0x0]  }
0x3e: {  	s5 =	simm.s32 $0x580  }
0x3f: {  	[tilespmem:s0], [sflag:$0x3] =	stream.indirect.gather [hbm4b:s1+s8], $0x80, s5, s8, $0xb8;
	v63 =	vld [tilespmem:$0x0]  }
0x40: {  	s6 =	simm.s32 $0x600  }
0x41: {  	[tilespmem:s10], [sflag:$0x4] =	stream.indirect.gather [hbm4b:s1+s8], $0x80, s6, s8, $0xb8;
	v63 =	vld [tilespmem:$0x0]  }
0x42: {  	s7 =	simm.s32 $0x680  }
0x43: {  	[tilespmem:s14], [sflag:$0x4] =	stream.indirect.gather [hbm4b:s1+s8], $0x80, s7, s8, $0xb8;
	v63 =	vld [tilespmem:$0x0]  }
0x44: {  	s12 =	simm.s32 $0x700  }
0x45: {  	[tilespmem:s18], [sflag:$0x4] =	stream.indirect.gather [hbm4b:s1+s8], $0x80, s12, s8, $0xb8;
	v63 =	vld [tilespmem:$0x0]  }
0x46: {  	s16 =	simm.s32 $0x780;
	s5 =	simm.s32 $0x0;
	s6 =	rddreg [dreg:$0x6]  }
0x47: {  	[tilespmem:s22], [sflag:$0x4] =	stream.indirect.gather [hbm4b:s1+s8], $0x80, s16, s8, $0xb8;
	v63 =	vld [tilespmem:$0x0]  }
.LBB2_2:
0x48: {  	_ =	swait.ge [sflag:s24], $0x1900  }
0x49: {  	[sflag:s24] =	ssyncset.done $0x0  }
0x4a: {  	[sflag:s24] =	ssyncadd.s32 $0xFFFFE700  }
0x4b: {  	_ =	swait.ge [sflag:s24], $0x1900  }
0x4c: {  	[sflag:s24] =	ssyncset.done $0x0  }
0x4d: {  	[sflag:s24] =	ssyncadd.s32 $0xFFFFE700  }
0x4e: {  	_ =	swait.ge [sflag:s24], $0x1900  }
0x4f: {  	[sflag:s24] =	ssyncset.done $0x0  }
0x50: {  	[sflag:s24] =	ssyncadd.s32 $0xFFFFE700  }
0x51: {  	_ =	swait.ge [sflag:s24], $0x1900  }
0x52: {  	[sflag:s24] =	ssyncset.done $0x0  }
0x53: {  	[sflag:s24] =	ssyncadd.s32 $0xFFFFE700  }
0x54: {  	[hbm4b:s6+s3] =	stream.linear.scatter [tilespmem:s9], [sflag:$0x5], $0x1900, $0x38;
	v63 =	vld [tilespmem:$0x0]  }
0x55: {  	s2 =	sadd.s32 $0x380, s6  }
0x56: {  	[hbm4b:s2+s3] =	stream.linear.scatter [tilespmem:s11], [sflag:$0x5], $0x1900, $0x38;
	v63 =	vld [tilespmem:$0x0]  }
0x57: {  	s7 =	sadd.s32 $0x700, s6;
	p0 =	seq.s32 s5, $0xE000  }
0x58: {  	[hbm4b:s7+s3] =	stream.linear.scatter [tilespmem:s13], [sflag:$0x5], $0x1900, $0x38;
	v63 =	vld [tilespmem:$0x0]  }
0x59: {  	s12 =	sadd.s32 $0xA80, s6;
	s2 =	simm.s32 @!p0 $0x5  }
0x5a: {  	[hbm4b:s12+s3] =	stream.linear.scatter [tilespmem:s15], [sflag:$0x5], $0x1900, $0x38;
	v63 =	vld [tilespmem:$0x0]  }
0x5b: {  	_ =	swait.ge @!p0 [sflag:s2], $0x6400  }
0x5c: {  	s16 =	simm.s32 @!p0 $0x4000;
	s7 =	sshra.s32 @!p0 s5, $0x2;
	[sflag:s2] =	ssyncset.done @!p0 $0x0  }
0x5d: {  	s12 =	sadd.s32 @!p0 $0x800, s7;
	[sflag:s2] =	ssyncadd.s32 @!p0 $0xFFFF9C00;
	s2 =	simm.s32 @!p0 $0x32  }
0x5e: {  	[tilespmem:s16], [sflag:$0x1] =	stream.indirect.gather @!p0 [hbm4b:s1+s2], $0x80, s12, s2, $0xb8;
	v63 =	vld [tilespmem:$0x0]  }
0x5f: {  	s12 =	sadd.s32 @!p0 $0x880, s7;
	s16 =	simm.s32 @!p0 $0x5C00  }
0x60: {  	[tilespmem:s16], [sflag:$0x1] =	stream.indirect.gather @!p0 [hbm4b:s1+s2], $0x80, s12, s2, $0xb8;
	v63 =	vld [tilespmem:$0x0]  }
0x61: {  	s12 =	sadd.s32 @!p0 $0x900, s7;
	s16 =	simm.s32 @!p0 $0x7800  }
0x62: {  	[tilespmem:s16], [sflag:$0x1] =	stream.indirect.gather @!p0 [hbm4b:s1+s2], $0x80, s12, s2, $0xb8;
	v63 =	vld [tilespmem:$0x0]  }
0x63: {  	s12 =	sadd.s32 @!p0 $0x980, s7;
	s16 =	simm.s32 @!p0 $0x9400  }
0x64: {  	[tilespmem:s16], [sflag:$0x1] =	stream.indirect.gather @!p0 [hbm4b:s1+s2], $0x80, s12, s2, $0xb8;
	v63 =	vld [tilespmem:$0x0]  }
0x65: {  	_ =	swait.ge [sflag:s26], $0x1900  }
0x66: {  	[sflag:s26] =	ssyncset.done $0x0  }
0x67: {  	[sflag:s26] =	ssyncadd.s32 $0xFFFFE700  }
0x68: {  	_ =	swait.ge [sflag:s26], $0x1900  }
0x69: {  	[sflag:s26] =	ssyncset.done $0x0  }
0x6a: {  	[sflag:s26] =	ssyncadd.s32 $0xFFFFE700  }
0x6b: {  	_ =	swait.ge [sflag:s26], $0x1900  }
0x6c: {  	[sflag:s26] =	ssyncset.done $0x0  }
0x6d: {  	[sflag:s26] =	ssyncadd.s32 $0xFFFFE700  }
0x6e: {  	_ =	swait.ge [sflag:s26], $0x1900  }
0x6f: {  	[sflag:s26] =	ssyncset.done $0x0  }
0x70: {  	s16 =	sadd.s32 $0xE00, s6;
	[sflag:s26] =	ssyncadd.s32 $0xFFFFE700  }
0x71: {  	[hbm4b:s16+s3] =	stream.linear.scatter [tilespmem:s17], [sflag:$0x6], $0x1900, $0x38;
	v63 =	vld [tilespmem:$0x0]  }
0x72: {  	s16 =	sadd.s32 $0x1180, s6  }
0x73: {  	[hbm4b:s16+s3] =	stream.linear.scatter [tilespmem:s19], [sflag:$0x6], $0x1900, $0x38;
	v63 =	vld [tilespmem:$0x0]  }
0x74: {  	s16 =	sadd.s32 $0x1500, s6  }
0x75: {  	[hbm4b:s16+s3] =	stream.linear.scatter [tilespmem:s21], [sflag:$0x6], $0x1900, $0x38;
	v63 =	vld [tilespmem:$0x0]  }
0x76: {  	s12 =	simm.s32 @!p0 $0x6;
	s16 =	sadd.s32 $0x1880, s6  }
0x77: {  	[hbm4b:s16+s3] =	stream.linear.scatter [tilespmem:s23], [sflag:$0x6], $0x1900, $0x38;
	v63 =	vld [tilespmem:$0x0]  }
0x78: {  	_ =	swait.ge @!p0 [sflag:s12], $0x6400  }
0x79: {  	[sflag:s12] =	ssyncset.done @!p0 $0x0  }
0x7a: {  	s16 =	simm.s32 @!p0 $0xB000;
	[sflag:s12] =	ssyncadd.s32 @!p0 $0xFFFF9C00;
	s12 =	sadd.s32 @!p0 $0xA00, s7  }
0x7b: {  	[tilespmem:s16], [sflag:$0x2] =	stream.indirect.gather @!p0 [hbm4b:s1+s2], $0x80, s12, s2, $0xb8;
	v63 =	vld [tilespmem:$0x0]  }
0x7c: {  	s12 =	sadd.s32 @!p0 $0xA80, s7;
	s16 =	simm.s32 @!p0 $0xCC00  }
0x7d: {  	[tilespmem:s16], [sflag:$0x2] =	stream.indirect.gather @!p0 [hbm4b:s1+s2], $0x80, s12, s2, $0xb8;
	v63 =	vld [tilespmem:$0x0]  }
0x7e: {  	s12 =	sadd.s32 @!p0 $0xB00, s7;
	s16 =	simm.s32 @!p0 $0xE800  }
0x7f: {  	[tilespmem:s16], [sflag:$0x2] =	stream.indirect.gather @!p0 [hbm4b:s1+s2], $0x80, s12, s2, $0xb8;
	v63 =	vld [tilespmem:$0x0]  }
0x80: {  	s12 =	sadd.s32 @!p0 $0xB80, s7;
	s16 =	simm.s32 @!p0 $0x10400  }
0x81: {  	[tilespmem:s16], [sflag:$0x2] =	stream.indirect.gather @!p0 [hbm4b:s1+s2], $0x80, s12, s2, $0xb8;
	v63 =	vld [tilespmem:$0x0]  }
0x82: {  	_ =	swait.ge [sflag:s29], $0x1900  }
0x83: {  	[sflag:s29] =	ssyncset.done $0x0  }
0x84: {  	[sflag:s29] =	ssyncadd.s32 $0xFFFFE700  }
0x85: {  	_ =	swait.ge [sflag:s29], $0x1900  }
0x86: {  	[sflag:s29] =	ssyncset.done $0x0  }
0x87: {  	[sflag:s29] =	ssyncadd.s32 $0xFFFFE700  }
0x88: {  	_ =	swait.ge [sflag:s29], $0x1900  }
0x89: {  	[sflag:s29] =	ssyncset.done $0x0  }
0x8a: {  	[sflag:s29] =	ssyncadd.s32 $0xFFFFE700  }
0x8b: {  	_ =	swait.ge [sflag:s29], $0x1900  }
0x8c: {  	[sflag:s29] =	ssyncset.done $0x0  }
0x8d: {  	s16 =	sadd.s32 $0x1C00, s6;
	[sflag:s29] =	ssyncadd.s32 $0xFFFFE700  }
0x8e: {  	[hbm4b:s16+s3] =	stream.linear.scatter [tilespmem:s25], [sflag:$0x7], $0x1900, $0x38;
	v63 =	vld [tilespmem:$0x0]  }
0x8f: {  	s16 =	sadd.s32 $0x1F80, s6  }
0x90: {  	[hbm4b:s16+s3] =	stream.linear.scatter [tilespmem:s28], [sflag:$0x7], $0x1900, $0x38;
	v63 =	vld [tilespmem:$0x0]  }
0x91: {  	s16 =	sadd.s32 $0x2300, s6  }
0x92: {  	[hbm4b:s16+s3] =	stream.linear.scatter [tilespmem:s30], [sflag:$0x7], $0x1900, $0x38;
	v63 =	vld [tilespmem:$0x0]  }
0x93: {  	s12 =	simm.s32 @!p0 $0x7;
	s16 =	sadd.s32 $0x2680, s6  }
0x94: {  	[hbm4b:s16+s3] =	stream.linear.scatter [tilespmem:s0], [sflag:$0x7], $0x1900, $0x38;
	v63 =	vld [tilespmem:$0x0]  }
0x95: {  	_ =	swait.ge @!p0 [sflag:s12], $0x6400  }
0x96: {  	[sflag:s12] =	ssyncset.done @!p0 $0x0  }
0x97: {  	s16 =	simm.s32 @!p0 $0x12000;
	[sflag:s12] =	ssyncadd.s32 @!p0 $0xFFFF9C00;
	s12 =	sadd.s32 @!p0 $0xC00, s7  }
0x98: {  	[tilespmem:s16], [sflag:$0x3] =	stream.indirect.gather @!p0 [hbm4b:s1+s2], $0x80, s12, s2, $0xb8;
	v63 =	vld [tilespmem:$0x0]  }
0x99: {  	s12 =	sadd.s32 @!p0 $0xC80, s7;
	s16 =	simm.s32 @!p0 $0x13C00  }
0x9a: {  	[tilespmem:s16], [sflag:$0x3] =	stream.indirect.gather @!p0 [hbm4b:s1+s2], $0x80, s12, s2, $0xb8;
	v63 =	vld [tilespmem:$0x0]  }
0x9b: {  	s12 =	sadd.s32 @!p0 $0xD00, s7;
	s16 =	simm.s32 @!p0 $0x15800  }
0x9c: {  	[tilespmem:s16], [sflag:$0x3] =	stream.indirect.gather @!p0 [hbm4b:s1+s2], $0x80, s12, s2, $0xb8;
	v63 =	vld [tilespmem:$0x0]  }
0x9d: {  	s7 =	sadd.s32 @!p0 $0xD80, s7;
	s12 =	simm.s32 @!p0 $0x17400  }
0x9e: {  	[tilespmem:s12], [sflag:$0x3] =	stream.indirect.gather @!p0 [hbm4b:s1+s2], $0x80, s7, s2, $0xb8;
	v63 =	vld [tilespmem:$0x0]  }
0x9f: {  	_ =	swait.ge [sflag:s31], $0x1900  }
0xa0: {  	[sflag:s31] =	ssyncset.done $0x0  }
0xa1: {  	[sflag:s31] =	ssyncadd.s32 $0xFFFFE700  }
0xa2: {  	_ =	swait.ge [sflag:s31], $0x1900  }
0xa3: {  	[sflag:s31] =	ssyncset.done $0x0  }
0xa4: {  	[sflag:s31] =	ssyncadd.s32 $0xFFFFE700  }
0xa5: {  	_ =	swait.ge [sflag:s31], $0x1900  }
0xa6: {  	[sflag:s31] =	ssyncset.done $0x0  }
0xa7: {  	[sflag:s31] =	ssyncadd.s32 $0xFFFFE700  }
0xa8: {  	_ =	swait.ge [sflag:s31], $0x1900  }
0xa9: {  	[sflag:s31] =	ssyncset.done $0x0  }
0xaa: {  	s16 =	sadd.s32 $0x2A00, s6;
	[sflag:s31] =	ssyncadd.s32 $0xFFFFE700  }
0xab: {  	[hbm4b:s16+s3] =	stream.linear.scatter [tilespmem:s10], [sflag:$0x8], $0x1900, $0x38;
	v63 =	vld [tilespmem:$0x0]  }
0xac: {  	s7 =	sadd.s32 $0x2D80, s6  }
0xad: {  	[hbm4b:s7+s3] =	stream.linear.scatter [tilespmem:s14], [sflag:$0x8], $0x1900, $0x38;
	v63 =	vld [tilespmem:$0x0]  }
.Ltmp2:
0xae: {  	_ = 	snop;
	(pc) =	sbr.rel @p0 .LBB2_4-.Ltmp2, $4  }
0xaf: {  	s12 =	sadd.s32 $0x3100, s6  }
0xb0: {  	[hbm4b:s12+s3] =	stream.linear.scatter [tilespmem:s18], [sflag:$0x8], $0x1900, $0x38;
	v63 =	vld [tilespmem:$0x0]  }
0xb1: {  	s16 =	sadd.s32 $0x3480, s6  }
0xb2: {  	[hbm4b:s16+s3] =	stream.linear.scatter [tilespmem:s22], [sflag:$0x8], $0x1900, $0x38;
	v63 =	vld [tilespmem:$0x0]  }
0xb3: {  	_ =	swait.ge [sflag:s20], $0x6400  }
0xb4: {  	s2 =	sshra.s32 s5, $0x2;
	[sflag:s20] =	ssyncset.done $0x0  }
0xb5: {  	s7 =	sadd.s32 $0xE00, s2;
	[sflag:s20] =	ssyncadd.s32 $0xFFFF9C00  }
0xb6: {  	[tilespmem:s10], [sflag:$0x4] =	stream.indirect.gather [hbm4b:s1+s8], $0x80, s7, s8, $0xb8;
	v63 =	vld [tilespmem:$0x0]  }
0xb7: {  	s12 =	sadd.s32 $0xE80, s2  }
0xb8: {  	[tilespmem:s14], [sflag:$0x4] =	stream.indirect.gather [hbm4b:s1+s8], $0x80, s12, s8, $0xb8;
	v63 =	vld [tilespmem:$0x0]  }
.Ltmp3:
0xb9: {  	_ = 	snop;
	(pc) =	sbr.rel .LBB2_2-.Ltmp3, $4  }
0xba: {  	s16 =	sadd.s32 $0xF00, s2  }
0xbb: {  	[tilespmem:s18], [sflag:$0x4] =	stream.indirect.gather [hbm4b:s1+s8], $0x80, s16, s8, $0xb8;
	v63 =	vld [tilespmem:$0x0]  }
0xbc: {  	s5 =	sadd.s32 $0x2000, s5;
	s6 =	sadd.s32 $0x3800, s6;
	s2 =	sadd.s32 $0xF80, s2  }
0xbd: {  	[tilespmem:s22], [sflag:$0x4] =	stream.indirect.gather [hbm4b:s1+s8], $0x80, s2, s8, $0xb8;
	v63 =	vld [tilespmem:$0x0]  }
.LBB2_5:
0xbe: {  	_ =	sfence.sel $0x180000  }
0xbf: {  	[bflag:$0x0] =	sbarrier.arrive $0xFFFF  }
0xc0: {  	_ =	strace $0x90000047  }
0xc1: {  	s0 =	stileid.u32;
	[bflag:$0x2] =	sbarrier.arrive $0xFFFF  }
0xc2: {  	p0 =	sne.s32 s0, $0x0;
	s0 =	rddreg [dreg:$0x3]  }
0xc3: {  	s0 =	sadd.s32 @!p0 $0x100000, s0  }
0xc4: {  	[sflag:s0] =	ssyncadd.tile.s32 @!p0 $0x1;
	_ =	shalt  }
.Lfunc_end2:
_tile_overlayer_lowered:
.L_overlay_start_2:
0xc5: {  	(tag) =	ssettag $0x2  }
0xc6: {  	s0 =	rddreg [dreg:$0x0];
	s2 =	stileid.u32  }
0xc7: {  	s1 =	rddreg [dreg:$0x1];
	p0 =	sne.s32 s2, $0x0  }
0xc8: {  	s3 =	rddreg [dreg:$0x2];
	[bflag:$0x3] =	sbarrier.arrive $0xFFFF;
	s2 =	simm.s32 @!p0 $0x1C09  }
0xc9: {  	[timem:s3], [sflag:s2] =	dma.local @!p0 [hbm:s0], s1  }
0xca: {  	s0 =	simm.s32 @!p0 $0x9  }
0xcb: {  	_ =	swait.ge @!p0 [sflag:s0], s1  }
0xcc: {  	s1 =	ssub.s32 @!p0 $0x0, s1;
	[sflag:s0] =	ssyncset.done @!p0 $0x0  }
0xcd: {  	[sflag:s0] =	ssyncadd.s32 @!p0 s1  }
0xce: {  	[bflag:$0x3] =	sbarrier.arrive $0xFFFF  }
0xcf: {  	_ =	shalt  }

</sc_bundles>
